<compile_context>
chip_gen: v7x
topology: tpu7x:2x2x1
jax: 0.10.2.dev20260603
libtpu: 0.0.44.dev20260713+nightly
codegen_flags: <defaults>
</compile_context>

<pallas_src>
import functools

import jax
import jax.numpy as jnp
from jax import lax
from jax.experimental import pallas as pl
from jax.experimental.pallas import tpu as pltpu
from jax.experimental.pallas import tpu_sc as plsc

_NC = 2
_NS = 16
_NW = _NC * _NS

_CHUNK = 16
_NBUF = 3


def _sc_embedding_gather(weight, input_ids):
    batch, seq = input_ids.shape
    d_model = weight.shape[1]
    b_per_w = (batch * seq) // _NW
    n_chunks = b_per_w // _CHUNK
    w_per_row = seq // b_per_w

    mesh = plsc.VectorSubcoreMesh(core_axis_name="c", subcore_axis_name="s")

    @functools.partial(
        pl.kernel,
        mesh=mesh,
        out_type=jax.ShapeDtypeStruct((batch, seq, d_model), jnp.float32),
        scratch_types=(
            [pltpu.VMEM((b_per_w,), jnp.int32)]
            + [pltpu.VMEM((_CHUNK, d_model), jnp.float32)] * _NBUF
            + [pltpu.SemaphoreType.DMA] * (2 * _NBUF)
        ),
    )
    def k(table_hbm, idx_hbm, out_hbm, idx_v, *bufs_and_sems):
        bufs = list(bufs_and_sems[:_NBUF])
        gsems = list(bufs_and_sems[_NBUF:2 * _NBUF])
        wsems = list(bufs_and_sems[2 * _NBUF:])
        wid = lax.axis_index("s") * _NC + lax.axis_index("c")
        row = wid // w_per_row
        col0 = (wid % w_per_row) * b_per_w
        pltpu.sync_copy(idx_hbm.at[row, pl.ds(col0, b_per_w)], idx_v)

        def gather(c, b):
            off = pl.multiple_of(c * _CHUNK, 8)
            return pltpu.async_copy(
                table_hbm.at[idx_v.at[pl.ds(off, _CHUNK)]], bufs[b],
                gsems[b])

        def gather_wait(b):
            pltpu.make_async_copy(
                table_hbm.at[idx_v.at[pl.ds(0, _CHUNK)]], bufs[b],
                gsems[b]).wait()

        def write(c, b):
            off = pl.multiple_of(col0 + c * _CHUNK, 8)
            return pltpu.async_copy(
                bufs[b], out_hbm.at[row, pl.ds(off, _CHUNK)], wsems[b])

        for b in range(_NBUF):
            gather(b, b)

        n_steady = (n_chunks - _NBUF) // _NBUF

        @pl.loop(0, n_steady)
        def _steady(g):
            for b in range(_NBUF):
                c = g * _NBUF + b
                gather_wait(b)
                write(c, b).wait()
                gather(c + _NBUF, b)

        for c in range(n_steady * _NBUF, n_chunks):
            b = c % _NBUF
            gather_wait(b)
            write(c, b).wait()
            if c + _NBUF < n_chunks:
                gather(c + _NBUF, b)

    return k(weight, input_ids)


def kernel(input_ids, weight):
    return _sc_embedding_gather(weight, input_ids.astype(jnp.int32))

# --- scband reference (transcript-rebuilt; emitter-appended) ---
"""Pipeline reference for scband-embedding-61409442398822 (READ-ONLY COPY).

The authoritative reference and input builder live on the scoring server;
editing this copy changes nothing except your own understanding.
"""

import jax, jax.numpy as jnp
import numpy as np

VOCAB = 100000
D_MODEL = 2048
BATCH = 4
SEQ = 2048


def setup_inputs(seed: int = 0) -> dict:
    key = jax.random.key(seed)
    k_idx, k_w = jax.random.split(key)
    input_ids = jax.random.randint(k_idx, (BATCH, SEQ), 0, VOCAB, dtype=jnp.int64 if jax.config.jax_enable_x64 else jnp.int32)
    weight = jax.random.normal(k_w, (VOCAB, D_MODEL), dtype=jnp.float32) * 0.02
    return {"input_ids": input_ids, "weight": weight}


def reference(input_ids, weight):
    # Embedding.forward: word_embeddings lookup (TensorEmbedding)
    return jnp.take(weight, input_ids, axis=0)

if __name__ == "__main__":
    import jax
    _d = setup_inputs()
    print(jax.jit(kernel)(*tuple(_d.values())))

</pallas_src>

<mosaic_0001>
#map = affine_map<(d0, d1) -> (0, 0)>
#map1 = affine_map<(d0, d1) -> (0, 0, 0)>
module attributes {stable_mosaic.version = 14 : i64} {
  func.func @k(%arg0: i32, %arg1: i32, %arg2: memref<100000x2048xf32, #tpu.memory_space<hbm>>, %arg3: memref<4x2048xi32, #tpu.memory_space<hbm>>, %arg4: memref<4x2048x2048xf32, #tpu.memory_space<hbm>>, %arg5: memref<256xi32, #tpu.memory_space<vmem>>, %arg6: memref<16x2048xf32, #tpu.memory_space<vmem>>, %arg7: memref<16x2048xf32, #tpu.memory_space<vmem>>, %arg8: memref<16x2048xf32, #tpu.memory_space<vmem>>, %arg9: memref<!tpu.dma_semaphore, #tpu.memory_space<semaphore_mem>>, %arg10: memref<!tpu.dma_semaphore, #tpu.memory_space<semaphore_mem>>, %arg11: memref<!tpu.dma_semaphore, #tpu.memory_space<semaphore_mem>>, %arg12: memref<!tpu.dma_semaphore, #tpu.memory_space<semaphore_mem>>, %arg13: memref<!tpu.dma_semaphore, #tpu.memory_space<semaphore_mem>>, %arg14: memref<!tpu.dma_semaphore, #tpu.memory_space<semaphore_mem>>) attributes {dimension_semantics = [#tpu.dimension_semantics<core_parallel>, #tpu.dimension_semantics<subcore_parallel>], iteration_bounds = array<i64: 2, 16>, scalar_prefetch = 0 : i64, scratch_operands = 10 : i64, tpu.core_type = #tpu.core_type<sc_vector_subcore>, window_params = [{transform_indices = #map}, {transform_indices = #map}, {transform_indices = #map1}]} {
    %mul3A = arith.constant 2 : i32
    %mul3A_0 = arith.muli %arg1, %mul3A : i32
    %add3A = arith.addi %mul3A_0, %arg0 : i32
    %jit3A = arith.constant 8 : i32
    %div3A = arith.divsi %add3A, %jit3A : i32
    %sign3A = arith.constant 0 : i32
    %sign3A_1 = arith.cmpi sgt, %add3A, %sign3A : i32
    %sign3A_2 = arith.extui %sign3A_1 : i1 to i32
    %sign3A_3 = arith.constant 0 : i32
    %sign3A_4 = arith.cmpi slt, %add3A, %sign3A_3 : i32
    %sign3A_5 = arith.extui %sign3A_4 : i1 to i32
    %sign3A_6 = arith.subi %sign3A_2, %sign3A_5 : i32
    %sign3A_7 = arith.constant 0 : i32
    %sign3A_8 = arith.cmpi sgt, %jit3A, %sign3A_7 : i32
    %sign3A_9 = arith.extui %sign3A_8 : i1 to i32
    %sign3A_10 = arith.constant 0 : i32
    %sign3A_11 = arith.cmpi slt, %jit3A, %sign3A_10 : i32
    %sign3A_12 = arith.extui %sign3A_11 : i1 to i32
    %sign3A_13 = arith.subi %sign3A_9, %sign3A_12 : i32
    %ne3A = arith.cmpi ne, %sign3A_6, %sign3A_13 : i32
    %rem3A = arith.remsi %add3A, %jit3A : i32
    %ne3A_14 = arith.constant 0 : i32
    %ne3A_15 = arith.cmpi ne, %rem3A, %ne3A_14 : i32
    %and3A = arith.andi %ne3A, %ne3A_15 : i1
    %sub3A = arith.constant 1 : i32
    %sub3A_16 = arith.subi %div3A, %sub3A : i32
    %select_n3A = arith.select %and3A, %sub3A_16, %div3A : i32
    %jit3A_17 = arith.constant 8 : i32
    %eq3A = arith.constant 0 : i32
    %eq3A_18 = arith.cmpi eq, %jit3A_17, %eq3A : i32
    %jit3A_19 = arith.constant 1 : i32
    %select_n3A_20 = arith.select %eq3A_18, %jit3A_19, %jit3A_17 : i32
    %rem3A_21 = arith.remsi %add3A, %select_n3A_20 : i32
    %ne3A_22 = arith.constant 0 : i32
    %ne3A_23 = arith.cmpi ne, %rem3A_21, %ne3A_22 : i32
    %lt3A = arith.constant 0 : i32
    %lt3A_24 = arith.cmpi slt, %rem3A_21, %lt3A : i32
    %lt3A_25 = arith.constant 0 : i32
    %lt3A_26 = arith.cmpi slt, %select_n3A_20, %lt3A_25 : i32
    %ne3A_27 = arith.xori %lt3A_24, %lt3A_26 : i1
    %and3A_28 = arith.andi %ne3A_27, %ne3A_23 : i1
    %add3A_29 = arith.addi %rem3A_21, %select_n3A_20 : i32
    %select_n3A_30 = arith.select %and3A_28, %add3A_29, %rem3A_21 : i32
    %mul3A_31 = arith.constant 256 : i32
    %mul3A_32 = arith.muli %select_n3A_30, %mul3A_31 : i32
    "tpu.region"() ({
      %run_scoped3A = tpu.sem_alloc : memref<!tpu.dma_semaphore, #tpu.memory_space<semaphore_mem>>
      %dma_start3A_138 = tpu.memref_slice %arg3[%select_n3A, %mul3A_32] : memref<4x2048xi32, #tpu.memory_space<hbm>> -> memref<1x256xi32, #tpu.memory_space<hbm>>
      %dma_start3A_139 = tpu.memref_squeeze %dma_start3A_138 : memref<1x256xi32, #tpu.memory_space<hbm>> -> memref<256xi32, #tpu.memory_space<hbm>>
      %dma_start3A_140 = tpu.memref_slice %arg3[%select_n3A, %mul3A_32] : memref<4x2048xi32, #tpu.memory_space<hbm>> -> memref<1x256xi32, #tpu.memory_space<hbm>>
      %dma_start3A_141 = tpu.memref_squeeze %dma_start3A_140 : memref<1x256xi32, #tpu.memory_space<hbm>> -> memref<256xi32, #tpu.memory_space<hbm>>
      tpu.enqueue_dma source(%dma_start3A_141 : memref<256xi32, #tpu.memory_space<hbm>>) target(%arg5 : memref<256xi32, #tpu.memory_space<vmem>>) target_semaphore(%run_scoped3A : memref<!tpu.dma_semaphore, #tpu.memory_space<semaphore_mem>>)
      %dma_wait3A_142 = tpu.memref_slice %arg3[%select_n3A, %mul3A_32] : memref<4x2048xi32, #tpu.memory_space<hbm>> -> memref<1x256xi32, #tpu.memory_space<hbm>>
      %dma_wait3A_143 = tpu.memref_squeeze %dma_wait3A_142 : memref<1x256xi32, #tpu.memory_space<hbm>> -> memref<256xi32, #tpu.memory_space<hbm>>
      %dma_wait3A_144 = tpu.memref_slice %arg3[%select_n3A, %mul3A_32] : memref<4x2048xi32, #tpu.memory_space<hbm>> -> memref<1x256xi32, #tpu.memory_space<hbm>>
      %dma_wait3A_145 = tpu.memref_squeeze %dma_wait3A_144 : memref<1x256xi32, #tpu.memory_space<hbm>> -> memref<256xi32, #tpu.memory_space<hbm>>
      tpu.wait_dma2 semaphore(%run_scoped3A : memref<!tpu.dma_semaphore, #tpu.memory_space<semaphore_mem>>) src(%dma_wait3A_145 : memref<256xi32, #tpu.memory_space<hbm>>) dst(%arg5 : memref<256xi32, #tpu.memory_space<vmem>>)
      tpu.yield
    }) : () -> ()
    %multiple_of3A = arith.constant 0 : i32
    %multiple_of3A_33 = tpu.assume_multiple %multiple_of3A, 8 : i32
    %dma_start3A = tpu.memref_slice %arg5[%multiple_of3A_33] : memref<256xi32, #tpu.memory_space<vmem>> -> memref<16xi32, #tpu.memory_space<vmem>>
    %dma_start3A_34 = arith.constant 0 : i32
    %dma_start3A_35 = arith.constant 0 : i32
    %dma_start3A_36 = tpu.memref_slice %arg2[%dma_start3A_34, %dma_start3A_35] : memref<100000x2048xf32, #tpu.memory_space<hbm>> -> memref<100000x2048xf32, #tpu.memory_space<hbm>>
    tpu.enqueue_indirect_dma source(%dma_start3A_36 : memref<100000x2048xf32, #tpu.memory_space<hbm>>) target(%arg6 : memref<16x2048xf32, #tpu.memory_space<vmem>>) offsets(%dma_start3A : memref<16xi32, #tpu.memory_space<vmem>>) semaphore(%arg9 : memref<!tpu.dma_semaphore, #tpu.memory_space<semaphore_mem>>)
    %multiple_of3A_37 = arith.constant 16 : i32
    %multiple_of3A_38 = tpu.assume_multiple %multiple_of3A_37, 8 : i32
    %dma_start3A_39 = tpu.memref_slice %arg5[%multiple_of3A_38] : memref<256xi32, #tpu.memory_space<vmem>> -> memref<16xi32, #tpu.memory_space<vmem>>
    %dma_start3A_40 = arith.constant 0 : i32
    %dma_start3A_41 = arith.constant 0 : i32
    %dma_start3A_42 = tpu.memref_slice %arg2[%dma_start3A_40, %dma_start3A_41] : memref<100000x2048xf32, #tpu.memory_space<hbm>> -> memref<100000x2048xf32, #tpu.memory_space<hbm>>
    tpu.enqueue_indirect_dma source(%dma_start3A_42 : memref<100000x2048xf32, #tpu.memory_space<hbm>>) target(%arg7 : memref<16x2048xf32, #tpu.memory_space<vmem>>) offsets(%dma_start3A_39 : memref<16xi32, #tpu.memory_space<vmem>>) semaphore(%arg10 : memref<!tpu.dma_semaphore, #tpu.memory_space<semaphore_mem>>)
    %multiple_of3A_43 = arith.constant 32 : i32
    %multiple_of3A_44 = tpu.assume_multiple %multiple_of3A_43, 8 : i32
    %dma_start3A_45 = tpu.memref_slice %arg5[%multiple_of3A_44] : memref<256xi32, #tpu.memory_space<vmem>> -> memref<16xi32, #tpu.memory_space<vmem>>
    %dma_start3A_46 = arith.constant 0 : i32
    %dma_start3A_47 = arith.constant 0 : i32
    %dma_start3A_48 = tpu.memref_slice %arg2[%dma_start3A_46, %dma_start3A_47] : memref<100000x2048xf32, #tpu.memory_space<hbm>> -> memref<100000x2048xf32, #tpu.memory_space<hbm>>
    tpu.enqueue_indirect_dma source(%dma_start3A_48 : memref<100000x2048xf32, #tpu.memory_space<hbm>>) target(%arg8 : memref<16x2048xf32, #tpu.memory_space<vmem>>) offsets(%dma_start3A_45 : memref<16xi32, #tpu.memory_space<vmem>>) semaphore(%arg11 : memref<!tpu.dma_semaphore, #tpu.memory_space<semaphore_mem>>)
    %scan3A = arith.constant 0 : i32
    %scan3A_49 = arith.constant 4 : i32
    %scan3A_50 = arith.addi %scan3A, %scan3A_49 : i32
    %scan3A_51 = arith.constant 1 : i32
    scf.for %scan3A_138 = %scan3A to %scan3A_50 step %scan3A_51  : i32 {
      %mul3A_139 = arith.constant 1 : i32
      %mul3A_140 = arith.muli %scan3A_138, %mul3A_139 : i32
      %add3A_141 = arith.constant 0 : i32
      %add3A_142 = arith.addi %add3A_141, %mul3A_140 : i32
      %mul3A_143 = arith.constant 3 : i32
      %mul3A_144 = arith.muli %add3A_142, %mul3A_143 : i32
      %add3A_145 = arith.constant 0 : i32
      %add3A_146 = arith.addi %mul3A_144, %add3A_145 : i32
      %dma_wait3A_147 = arith.constant 0 : i32
      %dma_wait3A_148 = tpu.memref_slice %arg5[%dma_wait3A_147] : memref<256xi32, #tpu.memory_space<vmem>> -> memref<16xi32, #tpu.memory_space<vmem>>
      %dma_wait3A_149 = arith.constant 0 : i32
      %dma_wait3A_150 = arith.constant 0 : i32
      %dma_wait3A_151 = tpu.memref_slice %arg2[%dma_wait3A_149, %dma_wait3A_150] : memref<100000x2048xf32, #tpu.memory_space<hbm>> -> memref<100000x2048xf32, #tpu.memory_space<hbm>>
      tpu.wait_indirect_dma semaphore(%arg9 : memref<!tpu.dma_semaphore, #tpu.memory_space<semaphore_mem>>) src(%dma_wait3A_151 : memref<100000x2048xf32, #tpu.memory_space<hbm>>) dst(%arg6 : memref<16x2048xf32, #tpu.memory_space<vmem>>)
      %mul3A_152 = arith.constant 16 : i32
      %mul3A_153 = arith.muli %add3A_146, %mul3A_152 : i32
      %add3A_154 = arith.addi %mul3A_32, %mul3A_153 : i32
      %multiple_of3A_155 = tpu.assume_multiple %add3A_154, 8 : i32
      %dma_start3A_156 = arith.constant 0 : i32
      %dma_start3A_157 = tpu.memref_slice %arg4[%select_n3A, %multiple_of3A_155, %dma_start3A_156] : memref<4x2048x2048xf32, #tpu.memory_space<hbm>> -> memref<1x16x2048xf32, #tpu.memory_space<hbm>>
      %dma_start3A_158 = tpu.memref_squeeze %dma_start3A_157 : memref<1x16x2048xf32, #tpu.memory_space<hbm>> -> memref<16x2048xf32, #tpu.memory_space<hbm>>
      %dma_start3A_159 = arith.constant 0 : i32
      %dma_start3A_160 = tpu.memref_slice %arg4[%select_n3A, %multiple_of3A_155, %dma_start3A_159] : memref<4x2048x2048xf32, #tpu.memory_space<hbm>> -> memref<1x16x2048xf32, #tpu.memory_space<hbm>>
      %dma_start3A_161 = tpu.memref_squeeze %dma_start3A_160 : memref<1x16x2048xf32, #tpu.memory_space<hbm>> -> memref<16x2048xf32, #tpu.memory_space<hbm>>
      tpu.enqueue_dma source(%arg6 : memref<16x2048xf32, #tpu.memory_space<vmem>>) target(%dma_start3A_161 : memref<16x2048xf32, #tpu.memory_space<hbm>>) target_semaphore(%arg12 : memref<!tpu.dma_semaphore, #tpu.memory_space<semaphore_mem>>)
      %dma_wait3A_162 = arith.constant 0 : i32
      %dma_wait3A_163 = tpu.memref_slice %arg4[%select_n3A, %multiple_of3A_155, %dma_wait3A_162] : memref<4x2048x2048xf32, #tpu.memory_space<hbm>> -> memref<1x16x2048xf32, #tpu.memory_space<hbm>>
      %dma_wait3A_164 = tpu.memref_squeeze %dma_wait3A_163 : memref<1x16x2048xf32, #tpu.memory_space<hbm>> -> memref<16x2048xf32, #tpu.memory_space<hbm>>
      %dma_wait3A_165 = arith.constant 0 : i32
      %dma_wait3A_166 = tpu.memref_slice %arg4[%select_n3A, %multiple_of3A_155, %dma_wait3A_165] : memref<4x2048x2048xf32, #tpu.memory_space<hbm>> -> memref<1x16x2048xf32, #tpu.memory_space<hbm>>
      %dma_wait3A_167 = tpu.memref_squeeze %dma_wait3A_166 : memref<1x16x2048xf32, #tpu.memory_space<hbm>> -> memref<16x2048xf32, #tpu.memory_space<hbm>>
      tpu.wait_dma2 semaphore(%arg12 : memref<!tpu.dma_semaphore, #tpu.memory_space<semaphore_mem>>) src(%arg6 : memref<16x2048xf32, #tpu.memory_space<vmem>>) dst(%dma_wait3A_167 : memref<16x2048xf32, #tpu.memory_space<hbm>>)
      %add3A_168 = arith.constant 3 : i32
      %add3A_169 = arith.addi %add3A_146, %add3A_168 : i32
      %mul3A_170 = arith.constant 16 : i32
      %mul3A_171 = arith.muli %add3A_169, %mul3A_170 : i32
      %multiple_of3A_172 = tpu.assume_multiple %mul3A_171, 8 : i32
      %dma_start3A_173 = tpu.memref_slice %arg5[%multiple_of3A_172] : memref<256xi32, #tpu.memory_space<vmem>> -> memref<16xi32, #tpu.memory_space<vmem>>
      %dma_start3A_174 = arith.constant 0 : i32
      %dma_start3A_175 = arith.constant 0 : i32
      %dma_start3A_176 = tpu.memref_slice %arg2[%dma_start3A_174, %dma_start3A_175] : memref<100000x2048xf32, #tpu.memory_space<hbm>> -> memref<100000x2048xf32, #tpu.memory_space<hbm>>
      tpu.enqueue_indirect_dma source(%dma_start3A_176 : memref<100000x2048xf32, #tpu.memory_space<hbm>>) target(%arg6 : memref<16x2048xf32, #tpu.memory_space<vmem>>) offsets(%dma_start3A_173 : memref<16xi32, #tpu.memory_space<vmem>>) semaphore(%arg9 : memref<!tpu.dma_semaphore, #tpu.memory_space<semaphore_mem>>)
      %mul3A_177 = arith.constant 3 : i32
      %mul3A_178 = arith.muli %add3A_142, %mul3A_177 : i32
      %add3A_179 = arith.constant 1 : i32
      %add3A_180 = arith.addi %mul3A_178, %add3A_179 : i32
      %dma_wait3A_181 = arith.constant 0 : i32
      %dma_wait3A_182 = tpu.memref_slice %arg5[%dma_wait3A_181] : memref<256xi32, #tpu.memory_space<vmem>> -> memref<16xi32, #tpu.memory_space<vmem>>
      %dma_wait3A_183 = arith.constant 0 : i32
      %dma_wait3A_184 = arith.constant 0 : i32
      %dma_wait3A_185 = tpu.memref_slice %arg2[%dma_wait3A_183, %dma_wait3A_184] : memref<100000x2048xf32, #tpu.memory_space<hbm>> -> memref<100000x2048xf32, #tpu.memory_space<hbm>>
      tpu.wait_indirect_dma semaphore(%arg10 : memref<!tpu.dma_semaphore, #tpu.memory_space<semaphore_mem>>) src(%dma_wait3A_185 : memref<100000x2048xf32, #tpu.memory_space<hbm>>) dst(%arg7 : memref<16x2048xf32, #tpu.memory_space<vmem>>)
      %mul3A_186 = arith.constant 16 : i32
      %mul3A_187 = arith.muli %add3A_180, %mul3A_186 : i32
      %add3A_188 = arith.addi %mul3A_32, %mul3A_187 : i32
      %multiple_of3A_189 = tpu.assume_multiple %add3A_188, 8 : i32
      %dma_start3A_190 = arith.constant 0 : i32
      %dma_start3A_191 = tpu.memref_slice %arg4[%select_n3A, %multiple_of3A_189, %dma_start3A_190] : memref<4x2048x2048xf32, #tpu.memory_space<hbm>> -> memref<1x16x2048xf32, #tpu.memory_space<hbm>>
      %dma_start3A_192 = tpu.memref_squeeze %dma_start3A_191 : memref<1x16x2048xf32, #tpu.memory_space<hbm>> -> memref<16x2048xf32, #tpu.memory_space<hbm>>
      %dma_start3A_193 = arith.constant 0 : i32
      %dma_start3A_194 = tpu.memref_slice %arg4[%select_n3A, %multiple_of3A_189, %dma_start3A_193] : memref<4x2048x2048xf32, #tpu.memory_space<hbm>> -> memref<1x16x2048xf32, #tpu.memory_space<hbm>>
      %dma_start3A_195 = tpu.memref_squeeze %dma_start3A_194 : memref<1x16x2048xf32, #tpu.memory_space<hbm>> -> memref<16x2048xf32, #tpu.memory_space<hbm>>
      tpu.enqueue_dma source(%arg7 : memref<16x2048xf32, #tpu.memory_space<vmem>>) target(%dma_start3A_195 : memref<16x2048xf32, #tpu.memory_space<hbm>>) target_semaphore(%arg13 : memref<!tpu.dma_semaphore, #tpu.memory_space<semaphore_mem>>)
      %dma_wait3A_196 = arith.constant 0 : i32
      %dma_wait3A_197 = tpu.memref_slice %arg4[%select_n3A, %multiple_of3A_189, %dma_wait3A_196] : memref<4x2048x2048xf32, #tpu.memory_space<hbm>> -> memref<1x16x2048xf32, #tpu.memory_space<hbm>>
      %dma_wait3A_198 = tpu.memref_squeeze %dma_wait3A_197 : memref<1x16x2048xf32, #tpu.memory_space<hbm>> -> memref<16x2048xf32, #tpu.memory_space<hbm>>
      %dma_wait3A_199 = arith.constant 0 : i32
      %dma_wait3A_200 = tpu.memref_slice %arg4[%select_n3A, %multiple_of3A_189, %dma_wait3A_199] : memref<4x2048x2048xf32, #tpu.memory_space<hbm>> -> memref<1x16x2048xf32, #tpu.memory_space<hbm>>
      %dma_wait3A_201 = tpu.memref_squeeze %dma_wait3A_200 : memref<1x16x2048xf32, #tpu.memory_space<hbm>> -> memref<16x2048xf32, #tpu.memory_space<hbm>>
      tpu.wait_dma2 semaphore(%arg13 : memref<!tpu.dma_semaphore, #tpu.memory_space<semaphore_mem>>) src(%arg7 : memref<16x2048xf32, #tpu.memory_space<vmem>>) dst(%dma_wait3A_201 : memref<16x2048xf32, #tpu.memory_space<hbm>>)
      %add3A_202 = arith.constant 3 : i32
      %add3A_203 = arith.addi %add3A_180, %add3A_202 : i32
      %mul3A_204 = arith.constant 16 : i32
      %mul3A_205 = arith.muli %add3A_203, %mul3A_204 : i32
      %multiple_of3A_206 = tpu.assume_multiple %mul3A_205, 8 : i32
      %dma_start3A_207 = tpu.memref_slice %arg5[%multiple_of3A_206] : memref<256xi32, #tpu.memory_space<vmem>> -> memref<16xi32, #tpu.memory_space<vmem>>
      %dma_start3A_208 = arith.constant 0 : i32
      %dma_start3A_209 = arith.constant 0 : i32
      %dma_start3A_210 = tpu.memref_slice %arg2[%dma_start3A_208, %dma_start3A_209] : memref<100000x2048xf32, #tpu.memory_space<hbm>> -> memref<100000x2048xf32, #tpu.memory_space<hbm>>
      tpu.enqueue_indirect_dma source(%dma_start3A_210 : memref<100000x2048xf32, #tpu.memory_space<hbm>>) target(%arg7 : memref<16x2048xf32, #tpu.memory_space<vmem>>) offsets(%dma_start3A_207 : memref<16xi32, #tpu.memory_space<vmem>>) semaphore(%arg10 : memref<!tpu.dma_semaphore, #tpu.memory_space<semaphore_mem>>)
      %mul3A_211 = arith.constant 3 : i32
      %mul3A_212 = arith.muli %add3A_142, %mul3A_211 : i32
      %add3A_213 = arith.constant 2 : i32
      %add3A_214 = arith.addi %mul3A_212, %add3A_213 : i32
      %dma_wait3A_215 = arith.constant 0 : i32
      %dma_wait3A_216 = tpu.memref_slice %arg5[%dma_wait3A_215] : memref<256xi32, #tpu.memory_space<vmem>> -> memref<16xi32, #tpu.memory_space<vmem>>
      %dma_wait3A_217 = arith.constant 0 : i32
      %dma_wait3A_218 = arith.constant 0 : i32
      %dma_wait3A_219 = tpu.memref_slice %arg2[%dma_wait3A_217, %dma_wait3A_218] : memref<100000x2048xf32, #tpu.memory_space<hbm>> -> memref<100000x2048xf32, #tpu.memory_space<hbm>>
      tpu.wait_indirect_dma semaphore(%arg11 : memref<!tpu.dma_semaphore, #tpu.memory_space<semaphore_mem>>) src(%dma_wait3A_219 : memref<100000x2048xf32, #tpu.memory_space<hbm>>) dst(%arg8 : memref<16x2048xf32, #tpu.memory_space<vmem>>)
      %mul3A_220 = arith.constant 16 : i32
      %mul3A_221 = arith.muli %add3A_214, %mul3A_220 : i32
      %add3A_222 = arith.addi %mul3A_32, %mul3A_221 : i32
      %multiple_of3A_223 = tpu.assume_multiple %add3A_222, 8 : i32
      %dma_start3A_224 = arith.constant 0 : i32
      %dma_start3A_225 = tpu.memref_slice %arg4[%select_n3A, %multiple_of3A_223, %dma_start3A_224] : memref<4x2048x2048xf32, #tpu.memory_space<hbm>> -> memref<1x16x2048xf32, #tpu.memory_space<hbm>>
      %dma_start3A_226 = tpu.memref_squeeze %dma_start3A_225 : memref<1x16x2048xf32, #tpu.memory_space<hbm>> -> memref<16x2048xf32, #tpu.memory_space<hbm>>
      %dma_start3A_227 = arith.constant 0 : i32
      %dma_start3A_228 = tpu.memref_slice %arg4[%select_n3A, %multiple_of3A_223, %dma_start3A_227] : memref<4x2048x2048xf32, #tpu.memory_space<hbm>> -> memref<1x16x2048xf32, #tpu.memory_space<hbm>>
      %dma_start3A_229 = tpu.memref_squeeze %dma_start3A_228 : memref<1x16x2048xf32, #tpu.memory_space<hbm>> -> memref<16x2048xf32, #tpu.memory_space<hbm>>
      tpu.enqueue_dma source(%arg8 : memref<16x2048xf32, #tpu.memory_space<vmem>>) target(%dma_start3A_229 : memref<16x2048xf32, #tpu.memory_space<hbm>>) target_semaphore(%arg14 : memref<!tpu.dma_semaphore, #tpu.memory_space<semaphore_mem>>)
      %dma_wait3A_230 = arith.constant 0 : i32
      %dma_wait3A_231 = tpu.memref_slice %arg4[%select_n3A, %multiple_of3A_223, %dma_wait3A_230] : memref<4x2048x2048xf32, #tpu.memory_space<hbm>> -> memref<1x16x2048xf32, #tpu.memory_space<hbm>>
      %dma_wait3A_232 = tpu.memref_squeeze %dma_wait3A_231 : memref<1x16x2048xf32, #tpu.memory_space<hbm>> -> memref<16x2048xf32, #tpu.memory_space<hbm>>
      %dma_wait3A_233 = arith.constant 0 : i32
      %dma_wait3A_234 = tpu.memref_slice %arg4[%select_n3A, %multiple_of3A_223, %dma_wait3A_233] : memref<4x2048x2048xf32, #tpu.memory_space<hbm>> -> memref<1x16x2048xf32, #tpu.memory_space<hbm>>
      %dma_wait3A_235 = tpu.memref_squeeze %dma_wait3A_234 : memref<1x16x2048xf32, #tpu.memory_space<hbm>> -> memref<16x2048xf32, #tpu.memory_space<hbm>>
      tpu.wait_dma2 semaphore(%arg14 : memref<!tpu.dma_semaphore, #tpu.memory_space<semaphore_mem>>) src(%arg8 : memref<16x2048xf32, #tpu.memory_space<vmem>>) dst(%dma_wait3A_235 : memref<16x2048xf32, #tpu.memory_space<hbm>>)
      %add3A_236 = arith.constant 3 : i32
      %add3A_237 = arith.addi %add3A_214, %add3A_236 : i32
      %mul3A_238 = arith.constant 16 : i32
      %mul3A_239 = arith.muli %add3A_237, %mul3A_238 : i32
      %multiple_of3A_240 = tpu.assume_multiple %mul3A_239, 8 : i32
      %dma_start3A_241 = tpu.memref_slice %arg5[%multiple_of3A_240] : memref<256xi32, #tpu.memory_space<vmem>> -> memref<16xi32, #tpu.memory_space<vmem>>
      %dma_start3A_242 = arith.constant 0 : i32
      %dma_start3A_243 = arith.constant 0 : i32
      %dma_start3A_244 = tpu.memref_slice %arg2[%dma_start3A_242, %dma_start3A_243] : memref<100000x2048xf32, #tpu.memory_space<hbm>> -> memref<100000x2048xf32, #tpu.memory_space<hbm>>
      tpu.enqueue_indirect_dma source(%dma_start3A_244 : memref<100000x2048xf32, #tpu.memory_space<hbm>>) target(%arg8 : memref<16x2048xf32, #tpu.memory_space<vmem>>) offsets(%dma_start3A_241 : memref<16xi32, #tpu.memory_space<vmem>>) semaphore(%arg11 : memref<!tpu.dma_semaphore, #tpu.memory_space<semaphore_mem>>)
    }
    %scan3A_52 = arith.constant 4 : i32
    %dma_wait3A = arith.constant 0 : i32
    %dma_wait3A_53 = tpu.memref_slice %arg5[%dma_wait3A] : memref<256xi32, #tpu.memory_space<vmem>> -> memref<16xi32, #tpu.memory_space<vmem>>
    %dma_wait3A_54 = arith.constant 0 : i32
    %dma_wait3A_55 = arith.constant 0 : i32
    %dma_wait3A_56 = tpu.memref_slice %arg2[%dma_wait3A_54, %dma_wait3A_55] : memref<100000x2048xf32, #tpu.memory_space<hbm>> -> memref<100000x2048xf32, #tpu.memory_space<hbm>>
    tpu.wait_indirect_dma semaphore(%arg9 : memref<!tpu.dma_semaphore, #tpu.memory_space<semaphore_mem>>) src(%dma_wait3A_56 : memref<100000x2048xf32, #tpu.memory_space<hbm>>) dst(%arg6 : memref<16x2048xf32, #tpu.memory_space<vmem>>)
    %add3A_57 = arith.constant 192 : i32
    %add3A_58 = arith.addi %mul3A_32, %add3A_57 : i32
    %multiple_of3A_59 = tpu.assume_multiple %add3A_58, 8 : i32
    %dma_start3A_60 = arith.constant 0 : i32
    %dma_start3A_61 = tpu.memref_slice %arg4[%select_n3A, %multiple_of3A_59, %dma_start3A_60] : memref<4x2048x2048xf32, #tpu.memory_space<hbm>> -> memref<1x16x2048xf32, #tpu.memory_space<hbm>>
    %dma_start3A_62 = tpu.memref_squeeze %dma_start3A_61 : memref<1x16x2048xf32, #tpu.memory_space<hbm>> -> memref<16x2048xf32, #tpu.memory_space<hbm>>
    %dma_start3A_63 = arith.constant 0 : i32
    %dma_start3A_64 = tpu.memref_slice %arg4[%select_n3A, %multiple_of3A_59, %dma_start3A_63] : memref<4x2048x2048xf32, #tpu.memory_space<hbm>> -> memref<1x16x2048xf32, #tpu.memory_space<hbm>>
    %dma_start3A_65 = tpu.memref_squeeze %dma_start3A_64 : memref<1x16x2048xf32, #tpu.memory_space<hbm>> -> memref<16x2048xf32, #tpu.memory_space<hbm>>
    tpu.enqueue_dma source(%arg6 : memref<16x2048xf32, #tpu.memory_space<vmem>>) target(%dma_start3A_65 : memref<16x2048xf32, #tpu.memory_space<hbm>>) target_semaphore(%arg12 : memref<!tpu.dma_semaphore, #tpu.memory_space<semaphore_mem>>)
    %dma_wait3A_66 = arith.constant 0 : i32
    %dma_wait3A_67 = tpu.memref_slice %arg4[%select_n3A, %multiple_of3A_59, %dma_wait3A_66] : memref<4x2048x2048xf32, #tpu.memory_space<hbm>> -> memref<1x16x2048xf32, #tpu.memory_space<hbm>>
    %dma_wait3A_68 = tpu.memref_squeeze %dma_wait3A_67 : memref<1x16x2048xf32, #tpu.memory_space<hbm>> -> memref<16x2048xf32, #tpu.memory_space<hbm>>
    %dma_wait3A_69 = arith.constant 0 : i32
    %dma_wait3A_70 = tpu.memref_slice %arg4[%select_n3A, %multiple_of3A_59, %dma_wait3A_69] : memref<4x2048x2048xf32, #tpu.memory_space<hbm>> -> memref<1x16x2048xf32, #tpu.memory_space<hbm>>
    %dma_wait3A_71 = tpu.memref_squeeze %dma_wait3A_70 : memref<1x16x2048xf32, #tpu.memory_space<hbm>> -> memref<16x2048xf32, #tpu.memory_space<hbm>>
    tpu.wait_dma2 semaphore(%arg12 : memref<!tpu.dma_semaphore, #tpu.memory_space<semaphore_mem>>) src(%arg6 : memref<16x2048xf32, #tpu.memory_space<vmem>>) dst(%dma_wait3A_71 : memref<16x2048xf32, #tpu.memory_space<hbm>>)
    %multiple_of3A_72 = arith.constant 240 : i32
    %multiple_of3A_73 = tpu.assume_multiple %multiple_of3A_72, 8 : i32
    %dma_start3A_74 = tpu.memref_slice %arg5[%multiple_of3A_73] : memref<256xi32, #tpu.memory_space<vmem>> -> memref<16xi32, #tpu.memory_space<vmem>>
    %dma_start3A_75 = arith.constant 0 : i32
    %dma_start3A_76 = arith.constant 0 : i32
    %dma_start3A_77 = tpu.memref_slice %arg2[%dma_start3A_75, %dma_start3A_76] : memref<100000x2048xf32, #tpu.memory_space<hbm>> -> memref<100000x2048xf32, #tpu.memory_space<hbm>>
    tpu.enqueue_indirect_dma source(%dma_start3A_77 : memref<100000x2048xf32, #tpu.memory_space<hbm>>) target(%arg6 : memref<16x2048xf32, #tpu.memory_space<vmem>>) offsets(%dma_start3A_74 : memref<16xi32, #tpu.memory_space<vmem>>) semaphore(%arg9 : memref<!tpu.dma_semaphore, #tpu.memory_space<semaphore_mem>>)
    %dma_wait3A_78 = arith.constant 0 : i32
    %dma_wait3A_79 = tpu.memref_slice %arg5[%dma_wait3A_78] : memref<256xi32, #tpu.memory_space<vmem>> -> memref<16xi32, #tpu.memory_space<vmem>>
    %dma_wait3A_80 = arith.constant 0 : i32
    %dma_wait3A_81 = arith.constant 0 : i32
    %dma_wait3A_82 = tpu.memref_slice %arg2[%dma_wait3A_80, %dma_wait3A_81] : memref<100000x2048xf32, #tpu.memory_space<hbm>> -> memref<100000x2048xf32, #tpu.memory_space<hbm>>
    tpu.wait_indirect_dma semaphore(%arg10 : memref<!tpu.dma_semaphore, #tpu.memory_space<semaphore_mem>>) src(%dma_wait3A_82 : memref<100000x2048xf32, #tpu.memory_space<hbm>>) dst(%arg7 : memref<16x2048xf32, #tpu.memory_space<vmem>>)
    %add3A_83 = arith.constant 208 : i32
    %add3A_84 = arith.addi %mul3A_32, %add3A_83 : i32
    %multiple_of3A_85 = tpu.assume_multiple %add3A_84, 8 : i32
    %dma_start3A_86 = arith.constant 0 : i32
    %dma_start3A_87 = tpu.memref_slice %arg4[%select_n3A, %multiple_of3A_85, %dma_start3A_86] : memref<4x2048x2048xf32, #tpu.memory_space<hbm>> -> memref<1x16x2048xf32, #tpu.memory_space<hbm>>
    %dma_start3A_88 = tpu.memref_squeeze %dma_start3A_87 : memref<1x16x2048xf32, #tpu.memory_space<hbm>> -> memref<16x2048xf32, #tpu.memory_space<hbm>>
    %dma_start3A_89 = arith.constant 0 : i32
    %dma_start3A_90 = tpu.memref_slice %arg4[%select_n3A, %multiple_of3A_85, %dma_start3A_89] : memref<4x2048x2048xf32, #tpu.memory_space<hbm>> -> memref<1x16x2048xf32, #tpu.memory_space<hbm>>
    %dma_start3A_91 = tpu.memref_squeeze %dma_start3A_90 : memref<1x16x2048xf32, #tpu.memory_space<hbm>> -> memref<16x2048xf32, #tpu.memory_space<hbm>>
    tpu.enqueue_dma source(%arg7 : memref<16x2048xf32, #tpu.memory_space<vmem>>) target(%dma_start3A_91 : memref<16x2048xf32, #tpu.memory_space<hbm>>) target_semaphore(%arg13 : memref<!tpu.dma_semaphore, #tpu.memory_space<semaphore_mem>>)
    %dma_wait3A_92 = arith.constant 0 : i32
    %dma_wait3A_93 = tpu.memref_slice %arg4[%select_n3A, %multiple_of3A_85, %dma_wait3A_92] : memref<4x2048x2048xf32, #tpu.memory_space<hbm>> -> memref<1x16x2048xf32, #tpu.memory_space<hbm>>
    %dma_wait3A_94 = tpu.memref_squeeze %dma_wait3A_93 : memref<1x16x2048xf32, #tpu.memory_space<hbm>> -> memref<16x2048xf32, #tpu.memory_space<hbm>>
    %dma_wait3A_95 = arith.constant 0 : i32
    %dma_wait3A_96 = tpu.memref_slice %arg4[%select_n3A, %multiple_of3A_85, %dma_wait3A_95] : memref<4x2048x2048xf32, #tpu.memory_space<hbm>> -> memref<1x16x2048xf32, #tpu.memory_space<hbm>>
    %dma_wait3A_97 = tpu.memref_squeeze %dma_wait3A_96 : memref<1x16x2048xf32, #tpu.memory_space<hbm>> -> memref<16x2048xf32, #tpu.memory_space<hbm>>
    tpu.wait_dma2 semaphore(%arg13 : memref<!tpu.dma_semaphore, #tpu.memory_space<semaphore_mem>>) src(%arg7 : memref<16x2048xf32, #tpu.memory_space<vmem>>) dst(%dma_wait3A_97 : memref<16x2048xf32, #tpu.memory_space<hbm>>)
    %dma_wait3A_98 = arith.constant 0 : i32
    %dma_wait3A_99 = tpu.memref_slice %arg5[%dma_wait3A_98] : memref<256xi32, #tpu.memory_space<vmem>> -> memref<16xi32, #tpu.memory_space<vmem>>
    %dma_wait3A_100 = arith.constant 0 : i32
    %dma_wait3A_101 = arith.constant 0 : i32
    %dma_wait3A_102 = tpu.memref_slice %arg2[%dma_wait3A_100, %dma_wait3A_101] : memref<100000x2048xf32, #tpu.memory_space<hbm>> -> memref<100000x2048xf32, #tpu.memory_space<hbm>>
    tpu.wait_indirect_dma semaphore(%arg11 : memref<!tpu.dma_semaphore, #tpu.memory_space<semaphore_mem>>) src(%dma_wait3A_102 : memref<100000x2048xf32, #tpu.memory_space<hbm>>) dst(%arg8 : memref<16x2048xf32, #tpu.memory_space<vmem>>)
    %add3A_103 = arith.constant 224 : i32
    %add3A_104 = arith.addi %mul3A_32, %add3A_103 : i32
    %multiple_of3A_105 = tpu.assume_multiple %add3A_104, 8 : i32
    %dma_start3A_106 = arith.constant 0 : i32
    %dma_start3A_107 = tpu.memref_slice %arg4[%select_n3A, %multiple_of3A_105, %dma_start3A_106] : memref<4x2048x2048xf32, #tpu.memory_space<hbm>> -> memref<1x16x2048xf32, #tpu.memory_space<hbm>>
    %dma_start3A_108 = tpu.memref_squeeze %dma_start3A_107 : memref<1x16x2048xf32, #tpu.memory_space<hbm>> -> memref<16x2048xf32, #tpu.memory_space<hbm>>
    %dma_start3A_109 = arith.constant 0 : i32
    %dma_start3A_110 = tpu.memref_slice %arg4[%select_n3A, %multiple_of3A_105, %dma_start3A_109] : memref<4x2048x2048xf32, #tpu.memory_space<hbm>> -> memref<1x16x2048xf32, #tpu.memory_space<hbm>>
    %dma_start3A_111 = tpu.memref_squeeze %dma_start3A_110 : memref<1x16x2048xf32, #tpu.memory_space<hbm>> -> memref<16x2048xf32, #tpu.memory_space<hbm>>
    tpu.enqueue_dma source(%arg8 : memref<16x2048xf32, #tpu.memory_space<vmem>>) target(%dma_start3A_111 : memref<16x2048xf32, #tpu.memory_space<hbm>>) target_semaphore(%arg14 : memref<!tpu.dma_semaphore, #tpu.memory_space<semaphore_mem>>)
    %dma_wait3A_112 = arith.constant 0 : i32
    %dma_wait3A_113 = tpu.memref_slice %arg4[%select_n3A, %multiple_of3A_105, %dma_wait3A_112] : memref<4x2048x2048xf32, #tpu.memory_space<hbm>> -> memref<1x16x2048xf32, #tpu.memory_space<hbm>>
    %dma_wait3A_114 = tpu.memref_squeeze %dma_wait3A_113 : memref<1x16x2048xf32, #tpu.memory_space<hbm>> -> memref<16x2048xf32, #tpu.memory_space<hbm>>
    %dma_wait3A_115 = arith.constant 0 : i32
    %dma_wait3A_116 = tpu.memref_slice %arg4[%select_n3A, %multiple_of3A_105, %dma_wait3A_115] : memref<4x2048x2048xf32, #tpu.memory_space<hbm>> -> memref<1x16x2048xf32, #tpu.memory_space<hbm>>
    %dma_wait3A_117 = tpu.memref_squeeze %dma_wait3A_116 : memref<1x16x2048xf32, #tpu.memory_space<hbm>> -> memref<16x2048xf32, #tpu.memory_space<hbm>>
    tpu.wait_dma2 semaphore(%arg14 : memref<!tpu.dma_semaphore, #tpu.memory_space<semaphore_mem>>) src(%arg8 : memref<16x2048xf32, #tpu.memory_space<vmem>>) dst(%dma_wait3A_117 : memref<16x2048xf32, #tpu.memory_space<hbm>>)
    %dma_wait3A_118 = arith.constant 0 : i32
    %dma_wait3A_119 = tpu.memref_slice %arg5[%dma_wait3A_118] : memref<256xi32, #tpu.memory_space<vmem>> -> memref<16xi32, #tpu.memory_space<vmem>>
    %dma_wait3A_120 = arith.constant 0 : i32
    %dma_wait3A_121 = arith.constant 0 : i32
    %dma_wait3A_122 = tpu.memref_slice %arg2[%dma_wait3A_120, %dma_wait3A_121] : memref<100000x2048xf32, #tpu.memory_space<hbm>> -> memref<100000x2048xf32, #tpu.memory_space<hbm>>
    tpu.wait_indirect_dma semaphore(%arg9 : memref<!tpu.dma_semaphore, #tpu.memory_space<semaphore_mem>>) src(%dma_wait3A_122 : memref<100000x2048xf32, #tpu.memory_space<hbm>>) dst(%arg6 : memref<16x2048xf32, #tpu.memory_space<vmem>>)
    %add3A_123 = arith.constant 240 : i32
    %add3A_124 = arith.addi %mul3A_32, %add3A_123 : i32
    %multiple_of3A_125 = tpu.assume_multiple %add3A_124, 8 : i32
    %dma_start3A_126 = arith.constant 0 : i32
    %dma_start3A_127 = tpu.memref_slice %arg4[%select_n3A, %multiple_of3A_125, %dma_start3A_126] : memref<4x2048x2048xf32, #tpu.memory_space<hbm>> -> memref<1x16x2048xf32, #tpu.memory_space<hbm>>
    %dma_start3A_128 = tpu.memref_squeeze %dma_start3A_127 : memref<1x16x2048xf32, #tpu.memory_space<hbm>> -> memref<16x2048xf32, #tpu.memory_space<hbm>>
    %dma_start3A_129 = arith.constant 0 : i32
    %dma_start3A_130 = tpu.memref_slice %arg4[%select_n3A, %multiple_of3A_125, %dma_start3A_129] : memref<4x2048x2048xf32, #tpu.memory_space<hbm>> -> memref<1x16x2048xf32, #tpu.memory_space<hbm>>
    %dma_start3A_131 = tpu.memref_squeeze %dma_start3A_130 : memref<1x16x2048xf32, #tpu.memory_space<hbm>> -> memref<16x2048xf32, #tpu.memory_space<hbm>>
    tpu.enqueue_dma source(%arg6 : memref<16x2048xf32, #tpu.memory_space<vmem>>) target(%dma_start3A_131 : memref<16x2048xf32, #tpu.memory_space<hbm>>) target_semaphore(%arg12 : memref<!tpu.dma_semaphore, #tpu.memory_space<semaphore_mem>>)
    %dma_wait3A_132 = arith.constant 0 : i32
    %dma_wait3A_133 = tpu.memref_slice %arg4[%select_n3A, %multiple_of3A_125, %dma_wait3A_132] : memref<4x2048x2048xf32, #tpu.memory_space<hbm>> -> memref<1x16x2048xf32, #tpu.memory_space<hbm>>
    %dma_wait3A_134 = tpu.memref_squeeze %dma_wait3A_133 : memref<1x16x2048xf32, #tpu.memory_space<hbm>> -> memref<16x2048xf32, #tpu.memory_space<hbm>>
    %dma_wait3A_135 = arith.constant 0 : i32
    %dma_wait3A_136 = tpu.memref_slice %arg4[%select_n3A, %multiple_of3A_125, %dma_wait3A_135] : memref<4x2048x2048xf32, #tpu.memory_space<hbm>> -> memref<1x16x2048xf32, #tpu.memory_space<hbm>>
    %dma_wait3A_137 = tpu.memref_squeeze %dma_wait3A_136 : memref<1x16x2048xf32, #tpu.memory_space<hbm>> -> memref<16x2048xf32, #tpu.memory_space<hbm>>
    tpu.wait_dma2 semaphore(%arg12 : memref<!tpu.dma_semaphore, #tpu.memory_space<semaphore_mem>>) src(%arg6 : memref<16x2048xf32, #tpu.memory_space<vmem>>) dst(%dma_wait3A_137 : memref<16x2048xf32, #tpu.memory_space<hbm>>)
    return
  }
}

</mosaic_0001>

<sc_bundles>
// kernel: kernel.3.cloned.1.call-start
scs
__scs_entry_jumppad:
0x0: {  	(pc) =	sbr.rel $0x88, $3  }
0x1: {  	(tag) =	ssettag $0x0;
	lr =	simm.s32 $0x1  }
0x2: {  	[smem:$0x3F9F] =	sst lr;
	_ =	strace $0xD0000000  }
0x3: {  	_ = 	snop  }
0x4: {  	_ = 	snop  }
0x5: {  	_ = 	snop  }
0x6: {  	_ = 	snop  }
0x7: {  	_ = 	snop  }
__scs_overlays_trampoline_lowered:
0x8: {  	[smem:$0x3FAE] =	sst s0  }
0x9: {  	[smem:$0x3FAF] =	sst s1  }
0xa: {  	[smem:$0x3FB0] =	sst s2  }
0xb: {  	[smem:$0x3FB1] =	sst s3  }
0xc: {  	[smem:$0x3FB2] =	sst s4  }
0xd: {  	[smem:$0x3FB3] =	sst s5  }
0xe: {  	[smem:$0x3FB4] =	sst s6  }
0xf: {  	[smem:$0x3FB5] =	sst s7  }
0x10: {  	[smem:$0x3FB6] =	sst s8  }
0x11: {  	[smem:$0x3FB7] =	sst s9;
	s0 =	simm.s32 @!p0 $0x0  }
0x12: {  	s1 =	sld [smem:$0x3F9D];
	s0 =	simm.s32 @p0 $0x1  }
0x13: {  	[smem:$0x3FB8] =	sst s0;
	s0 =	simm.s32 @!p1 $0x0  }
0x14: {  	s2 =	sld [smem:$0x3F9C];
	s0 =	simm.s32 @p1 $0x1  }
0x15: {  	[smem:$0x3FB9] =	sst s0;
	s0 =	simm.s32 @!p2 $0x0  }
0x16: {  	s3 =	sld [smem:$0x3FDB];
	s0 =	simm.s32 @p2 $0x1  }
0x17: {  	s4 =	simm.s32 $0x1BF5;
	[smem:$0x3FBB] =	sst s0  }
0x18: {  	s0 =	sld [smem:$0x3F9E];
	_ =	swait.ge [sflag:s4], $0x0  }
0x19: {  	s7 =	sld [smem:$0x3F9F]  }
0x1a: {  	s8 =	sadd.s32 $0xFFFFE003, lr  }
0x1b: {  	s9 =	sadd.s32 $0xFFFFFEF7, lr;
	s5 =	simm.s32 $0xFFFFFFFF;
	p2 =	slt.u32 s8, $0xFFFFF086  }
0x1c: {  	p1 =	slt.u32 s9, $0xF7A;
	s5 =	simm.s32 @!p2 $0x0  }
0x1d: {  	s5 =	simm.s32 @p1 $0x1;
	p0 =	seq.s32 s7, s2  }
0x1e: {  	s7 =	smul.u32 @!p0 $0xF7A, s2;
	p2 =	seq.s32 @!p0 s5, $0x0  }
0x1f: {  	s9 =	smul.u32 $0xF7A, s1;
	s8 =	simm.s32 @!p0 $0x1BF5;
	p2 =	por !p2, p0  }
0x20: {  	[sflag:s8] =	ssyncset.s32 @!p0 $0xFFFFF086;
	s6 =	sadd.s32 @!p0 s3, s7;
	s7 =	simm.s32 @!p0 $0x108  }
0x21: {  	s3 =	sadd.s32 s3, s9;
	s6 =	sadd.s32 @!p0 $0x88, s6;
	s7 =	simm.s32 @p2 $0x1082  }
0x22: {  	[simem:s7], [sflag:s8] =	dma.local @!p0 [hbm:s6], $0xF7A  }
0x23: {  	s9 =	sor.u32 $0xD0000000, s2;
	s6 =	simm.s32 $0x108;
	_ =	swait.ge @!p0 [sflag:s8], $0x0  }
0x24: {  	s3 =	sadd.s32 $0x88, s3;
	s6 =	simm.s32 @!p1 $0x1082;
	[sflag:s4] =	ssyncset.s32 $0xFFFFF086  }
0x25: {  	[simem:s6], [sflag:s4] =	dma.local [hbm:s3], $0xF7A  }
0x26: {  	[smem:$0x3F9F] =	sst s1;
	(tag) =	ssettag s2;
	_ =	strace s9  }
0x27: {  	s1 =	sld [smem:$0x3FAF]  }
0x28: {  	s2 =	sld [smem:$0x3FB0]  }
0x29: {  	s4 =	sld [smem:$0x3FB2]  }
0x2a: {  	p0 =	seq.s32 s5, $0x0;
	s5 =	sld [smem:$0x3FB3]  }
0x2b: {  	s6 =	sld [smem:$0x3FB4]  }
0x2c: {  	s7 =	sld [smem:$0x3FB5]  }
0x2d: {  	s3 =	simm.s32 $0x108;
	s8 =	sld [smem:$0x3FB6]  }
0x2e: {  	s3 =	simm.s32 @!p0 $0x1082;
	s9 =	sld [smem:$0x3FB7]  }
0x2f: {  	lr =	sadd.s32 s0, s3;
	s0 =	sld [smem:$0x3FAE]  }
0x30: {  	s3 =	sld [smem:$0x3FB1]  }
0x31: {  	[smem:$0x3FBA] =	sst s10  }
0x32: {  	s10 =	sld [smem:$0x3FB8];
	_ =	sdelay $0x3  }
0x33: {  	p0 =	seq.s32 s10, $0x1;
	s10 =	sld [smem:$0x3FBA];
	_ =	sdelay $0x3  }
0x34: {  	[smem:$0x3FBA] =	sst s10  }
0x35: {  	s10 =	sld [smem:$0x3FB9];
	_ =	sdelay $0x3  }
0x36: {  	p1 =	seq.s32 s10, $0x1;
	s10 =	sld [smem:$0x3FBA];
	_ =	sdelay $0x3  }
0x37: {  	[smem:$0x3FBA] =	sst s10  }
0x38: {  	s10 =	sld [smem:$0x3FBB]  }
0x39: {  	_ = 	snop;
	(pc) =	sbr.ind lr, $3  }
0x3a: {  	_ = 	snop  }
0x3b: {  	_ = 	snop  }
0x3c: {  	p2 =	seq.s32 s10, $0x1;
	s10 =	sld [smem:$0x3FBA]  }
0x3d: {  	_ =	shalt  }
0x3e: {  	_ =	shalt  }
0x3f: {  	_ =	shalt  }
0x40: {  	_ =	shalt  }
0x41: {  	_ =	shalt  }
0x42: {  	_ =	shalt  }
0x43: {  	_ =	shalt  }
0x44: {  	_ =	shalt  }
0x45: {  	_ =	shalt  }
0x46: {  	_ =	shalt  }
0x47: {  	_ =	shalt  }
0x48: {  	_ =	shalt  }
0x49: {  	_ =	shalt  }
0x4a: {  	_ =	shalt  }
0x4b: {  	_ =	shalt  }
0x4c: {  	_ =	shalt  }
0x4d: {  	_ =	shalt  }
0x4e: {  	_ =	shalt  }
0x4f: {  	_ =	shalt  }
0x50: {  	_ =	shalt  }
0x51: {  	_ =	shalt  }
0x52: {  	_ =	shalt  }
0x53: {  	_ =	shalt  }
0x54: {  	_ =	shalt  }
0x55: {  	_ =	shalt  }
0x56: {  	_ =	shalt  }
0x57: {  	_ =	shalt  }
0x58: {  	_ =	shalt  }
0x59: {  	_ =	shalt  }
0x5a: {  	_ =	shalt  }
0x5b: {  	_ =	shalt  }
0x5c: {  	_ =	shalt  }
0x5d: {  	_ =	shalt  }
0x5e: {  	_ =	shalt  }
0x5f: {  	_ =	shalt  }
0x60: {  	_ =	shalt  }
0x61: {  	_ =	shalt  }
0x62: {  	_ =	shalt  }
0x63: {  	_ =	shalt  }
0x64: {  	_ =	shalt  }
0x65: {  	_ =	shalt  }
0x66: {  	_ =	shalt  }
0x67: {  	_ =	shalt  }
0x68: {  	_ =	shalt  }
0x69: {  	_ =	shalt  }
0x6a: {  	_ =	shalt  }
0x6b: {  	_ =	shalt  }
0x6c: {  	_ =	shalt  }
0x6d: {  	_ =	shalt  }
0x6e: {  	_ =	shalt  }
0x6f: {  	_ =	shalt  }
0x70: {  	_ =	shalt  }
0x71: {  	_ =	shalt  }
0x72: {  	_ =	shalt  }
0x73: {  	_ =	shalt  }
0x74: {  	_ =	shalt  }
0x75: {  	_ =	shalt  }
0x76: {  	_ =	shalt  }
0x77: {  	_ =	shalt  }
0x78: {  	_ =	shalt  }
0x79: {  	_ =	shalt  }
0x7a: {  	_ =	shalt  }
0x7b: {  	_ =	shalt  }
0x7c: {  	_ =	shalt  }
0x7d: {  	_ =	shalt  }
0x7e: {  	_ =	shalt  }
0x7f: {  	_ =	shalt  }
0x80: {  	_ =	shalt  }
0x81: {  	_ =	shalt  }
0x82: {  	_ =	shalt  }
0x83: {  	_ =	shalt  }
0x84: {  	_ =	shalt  }
0x85: {  	_ =	shalt  }
0x86: {  	_ =	shalt  }
0x87: {  	_ =	shalt  }
.Lfunc_end0:
.L_simem_size_0:
called_computation_lowered:
.L_overlay_start_0:
0x88: {  	s2 =	sld [smem:$0x3FD9]  }
0x89: {  	s3 =	sld [smem:$0x3FFE];
	_ =	sdelay $0x1  }
0x8a: {  	s1 =	srdreg.scid  }
0x8b: {  	s0 =	sand.u32 $0x1, s1  }
0x8c: {  	s18 =	sshll.u32 s0, $0xA;
	s2 =	sadd.s32 s3, s2  }
0x8d: {  	s2 =	sadd.s32 s2, s18  }
0x8e: {  	[smem:$0x3FC6] =	sst s2  }
0x8f: {  	_ = 	snop  }
0x90: {  	s2 =	sld [smem:$0x3FC9]  }
0x91: {  	s19 =	sld [smem:$0x3FC8]  }
0x92: {  	s4 =	sld [smem:$0x3FD0];
	(tm) =	ssettm $0x1  }
0x93: {  	s5 =	sld [smem:$0x3FFB];
	_ =	sdelay $0x3  }
0x94: {  	_ =	strace s5  }
0x95: {  	s5 =	sld [smem:$0x3FFC];
	_ =	sdelay $0x3  }
0x96: {  	_ =	strace s5  }
0x97: {  	s5 =	sld [smem:$0x3FFD];
	_ =	sdelay $0x3  }
0x98: {  	_ =	strace s5  }
0x99: {  	_ =	strace $0x8FFFFFFF  }
0x9a: {  	s20 =	sld [smem:$0x3FDB];
	_ =	sdelay $0x1  }
0x9b: {  	s6 =	simm.s32 $_scs_section_size  }
0x9c: {  	s7 =	simm.s32 $_size__tile_overlayer_lowered;
	s8 =	simm.s32 $_tile_overlayer_lowered  }
0x9d: {  	s23 =	simm.s32 $0x1BFF;
	s22 =	sshll.u32 s8, $0x1;
	s5 =	sadd.s32 s6, s20  }
0x9e: {  	s9 =	simm.s32 $0x0;
	s21 =	sshll.u32 s7, $0x1;
	s7 =	sadd.s32 s22, s5  }
0x9f: {  	[timem:s9], [sflag:s23] =	dma.local [hbm:s7], s21  }
0xa0: {  	_ =	swait.ge [sflag:s23], s21  }
0xa1: {  	s6 =	ssub.s32 $0x0, s21;
	[sflag:s23] =	ssyncset.done $0x0  }
0xa2: {  	[sflag:s23] =	ssyncadd.s32 s6;
	_ =	sdelay $0x1  }
0xa3: {  	s24 =	simm.s32 $0x1B8B  }
0xa4: {  	_ =	swait.ge [sflag:s24], $0x1  }
0xa5: {  	[sflag:s24] =	ssyncset.done $0x0  }
0xa6: {  	s25 =	simm.s32 $0x1B8E;
	[sflag:s24] =	ssyncadd.s32 $0xFFFFFFFF  }
0xa7: {  	s26 =	simm.s32 $execute0_lowered;
	[smem:$0x3FD2] =	sst s25  }
0xa8: {  	s6 =	sshll.u32 s26, $0x1;
	_ =	strace $0x80000046;
	[dreg:$0x1] =	wrdreg $0xFFFFFFFF  }
0xa9: {  	s28 =	simm.s32 $_size_execute0_lowered;
	s5 =	sadd.s32 s5, s6;
	[dreg:$0x0] =	wrdreg $0x0  }
0xaa: {  	s6 =	sshll.u32 s28, $0x1;
	[dreg:$0x2] =	wrdreg s5  }
0xab: {  	[dreg:$0x3] =	wrdreg s6  }
0xac: {  	[dreg:$0x4] =	wrdreg $0xC0  }
0xad: {  	_ =	task [dreg:s9], $0x5FFFF  }
0xae: {  	[dreg:$0x1] =	wrdreg $0xFFFFFFFF  }
0xaf: {  	[dreg:$0x0] =	wrdreg $0x60  }
0xb0: {  	[dreg:$0x2] =	wrdreg s19  }
0xb1: {  	[dreg:$0x3] =	wrdreg s2  }
0xb2: {  	[dreg:$0x4] =	wrdreg s4  }
0xb3: {  	[dreg:$0x5] =	wrdreg $0x9  }
0xb4: {  	_ =	task.clear_ibuf [dreg:s9], $0x6FFFF;
	_ =	strace $0x90000046  }
0xb5: {  	s29 =	simm.s32 $0x9;
	_ =	strace $0x80000048  }
0xb6: {  	_ =	swait.ge [sflag:s29], $0x1  }
0xb7: {  	[sflag:s29] =	ssyncadd.s32 $0xFFFFFFFF  }
0xb8: {  	_ =	strace $0x90000048  }
0xb9: {  	_ =	sfence  }
0xba: {  	s30 =	sld [smem:$0x0];
	_ =	sdelay $0x2  }
0xbb: {  	s31 =	sshll.u32 s1, $0xD;
	s1 =	sshrl.u32 s1, $0x2  }
0xbc: {  	s3 =	sand.u32 $0x4000, s31;
	s1 =	sadd.s32 s1, s30  }
0xbd: {  	s0 =	sor.u32 s3, s0;
	s1 =	sshll.u32 s1, $0x11  }
0xbe: {  	s0 =	sor.u32 s1, s0  }
0xbf: {  	s0 =	sadd.s32 $0x8F2B, s0  }
0xc0: {  	[sflag:s0] =	ssyncadd.remote.s32 $0x1  }
0xc1: {  	_ =	sfence.sel $0xFFFF  }
0xc2: {  	[dreg:$0x0] =	wrdreg $0xFFFFFFFF;
	(pc) =	sbr.abs _section_cstart, $3  }
0xc3: {  	[dreg:$0x1] =	wrdreg $0xFFFFFFFF  }
0xc4: {  	_ =	task.clear_ibuf [dreg:s9], $0x2FFFF;
	_ =	strace $0x9FFFFFFF  }
0xc5: {  	(tm) =	ssettm $0x7FFFFFFF  }
tec
execute0_lowered:
.L_overlay_start_1:
0x0: {  	(tag) =	ssettag $0x1  }
0x1: {  	s1 =	rddreg [dreg:$0x0]  }
0x2: {  	s0 =	rddreg [dreg:$0x1]  }
0x3: {  	s2 =	rddreg [dreg:$0x2]  }
0x4: {  	s3 =	simm.s32 $0x0;
	s14 =	stileid.u32;
	s4 =	srdreg.scid  }
0x5: {  	s17 =	simm.s32 $0x8100;
	s28 =	simm.s32 $0x1;
	s29 =	simm.s32 $0x2  }
0x6: {  	s15 =	simm.s32 $0x3;
	s31 =	simm.s32 $0x6;
	s30 =	simm.s32 $0x16100  }
0x7: {  	[smem:$0x7FF] =	sst s3;
	s5 =	sshll.u32 s14, $0x1;
	s4 =	sand.u32 $0x1, s4  }
0x8: {  	s10 =	sshrl.u32 s14, $0x2;
	s9 =	sadd.s32 $0x500, s1;
	s14 =	sand.u32 $0x3, s14  }
0x9: {  	_ =	strace $0x80000047;
	s5 =	sand.u32 $0x6, s5;
	s6 =	ssub.s32 $0x2, s4  }
0xa: {  	s18 =	sshll.u32 s10, $0x4;
	s19 =	sshll.u32 s10, $0x16;
	s10 =	sadd.s32 $0x600, s1  }
0xb: {  	s14 =	sshll.u32 s14, $0x14;
	s11 =	sor.u32 s4, s5;
	s7 =	sshrl.u32 s6, $0x1  }
0xc: {  	s0 =	sadd.s32 s0, s18;
	s5 =	sadd.s32 $0x100, s1;
	s4 =	sshll.u32 s4, $0x13  }
0xd: {  	s18 =	simm.s32 $0x15900;
	s8 =	sshll.u32 s11, $0x7;
	s12 =	ssub.s32 s6, s7  }
0xe: {  	s6 =	sadd.s32 $0x200, s1;
	s7 =	sadd.s32 $0x300, s1;
	s11 =	sshll.u32 s11, $0x13  }
0xf: {  	s0 =	sadd.s32 s8, s0;
	s8 =	sadd.s32 $0x400, s1;
	s13 =	sor.u32 s19, s11  }
0x10: {  	s11 =	sadd.s32 $0x700, s1;
	s26 =	smax.u32 s12, $0x1;
	s12 =	simm.s32 $0x0  }
0x11: {  	[dreg:$0x7] =	wrdreg s0;
	s13 =	sshrl.u32 s13, $0x3;
	s0 =	sor.u32 s14, s19  }
0x12: {  	[dreg:$0xc] =	wrdreg s26;
	s26 =	simm.s32 $0x13100;
	s13 =	sadd.s32 s13, s2  }
0x13: {  	s0 =	sor.u32 s4, s0;
	s20 =	sadd.s32 $0xC000, s13;
	s21 =	sadd.s32 $0xD000, s13  }
0x14: {  	s22 =	sadd.s32 $0xE000, s13;
	s23 =	sshrl.u32 s0, $0x3;
	[dreg:$0x8] =	wrdreg s20  }
0x15: {  	s24 =	sor.u32 $0x8000, s0;
	s0 =	sor.u32 $0x10000, s0;
	[dreg:$0x9] =	wrdreg s21  }
0x16: {  	s13 =	sadd.s32 $0xF000, s13;
	[dreg:$0xa] =	wrdreg s22;
	s4 =	sadd.s32 s23, s2  }
0x17: {  	s14 =	sshrl.u32 s24, $0x3;
	s0 =	sshrl.u32 s0, $0x3;
	[dreg:$0xb] =	wrdreg s13  }
0x18: {  	s23 =	simm.s32 $0x10100;
	s22 =	simm.s32 $0x15100;
	s24 =	simm.s32 $0x17100  }
0x19: {  	s20 =	simm.s32 $0x17900;
	s13 =	simm.s32 $0x4;
	s21 =	simm.s32 $0x14100  }
0x1a: {  	v2 =	vlaneseq.u32;
	[dreg:$0x4] =	wrdreg s4;
	s25 =	sadd.s32 s14, s2;
	s0 =	sadd.s32 s0, s2  }
0x1b: {  	vm0 =	vmmov $0xffff;
	v1 =	vshrl.u32 v2, $0x3;
	s2 =	simm.s32 $0x100;
	s4 =	simm.s32 $0x16900;
	[dreg:$0x5] =	wrdreg s25  }
0x1c: {  	v0 =	vand.u32 $0x7, v2;
	v2 =	vor.u32 $0x8, v2;
	v1 =	vmul.u32 $0x8, v1;
	s14 =	simm.s32 $0x5;
	[dreg:$0x6] =	wrdreg s0;
	s25 =	simm.s32 $0x17100  }
.LBB2_1:
0x1d: {  	[dreg:$0xd] =	wrdreg s12  }
0x1e: {  	s0 =	rddreg [dreg:$0x7]  }
0x1f: {  	s16 =	simm.s32 $0x80;
	s19 =	simm.s32 $0x200;
	s12 =	simm.s32 $0x7  }
0x20: {  	[tilespmem:s3], [sflag:$0x7] =	stream.strided.gather [hbm4b:s0+s16], $0x100, s19, s16, $0x38;
	[tilespmem:$0x18100] =	vst v63  }
0x21: {  	_ =	swait.ge [sflag:s12], $0x100  }
0x22: {  	[sflag:s12] =	ssyncset.done $0x0  }
0x23: {  	[sflag:s12] =	ssyncadd.s32 $0xFFFFFF00  }
0x24: {  	v3 =	vld [tilespmem:$0x0];
	_ =	sdelay $0x4  }
0x25: {  	v4 =	vshll.u32 v3, $0x4  }
0x26: {  	v3 =	vand.u32 $0x7, v3;
	v4 =	vand.u32 $0xFFFFFF80, v4  }
0x27: {  	v3 =	vor.u32 v3, v4  }
0x28: {  	v4 =	vperm.xlane v3, v0;
	_ =	sdelay $0x1  }
0x29: {  	v4 =	vadd.s32 v1, v4;
	_ =	sdelay $0x4  }
0x2a: {  	[tilespmem:s2], [sflag:$0x1] =	stream.indirect_vreg.gather [hbm4b:s1+s3], $0x80, v4, vm0, $0xb8;
	[tilespmem:$0x18100] =	vst v63  }
0x2b: {  	s16 =	simm.s32 $0x900  }
0x2c: {  	[tilespmem:s16], [sflag:$0x1] =	stream.indirect_vreg.gather [hbm4b:s5+s3], $0x80, v4, vm0, $0xb8;
	[tilespmem:$0x18100] =	vst v63  }
0x2d: {  	s19 =	simm.s32 $0x1100  }
0x2e: {  	[tilespmem:s19], [sflag:$0x1] =	stream.indirect_vreg.gather [hbm4b:s6+s3], $0x80, v4, vm0, $0xb8;
	[tilespmem:$0x18100] =	vst v63  }
0x2f: {  	s2 =	simm.s32 $0x1900  }
0x30: {  	[tilespmem:s2], [sflag:$0x1] =	stream.indirect_vreg.gather [hbm4b:s7+s3], $0x80, v4, vm0, $0xb8;
	[tilespmem:$0x18100] =	vst v63  }
0x31: {  	s12 =	simm.s32 $0x2100  }
0x32: {  	[tilespmem:s12], [sflag:$0x1] =	stream.indirect_vreg.gather [hbm4b:s8+s3], $0x80, v4, vm0, $0xb8;
	[tilespmem:$0x18100] =	vst v63  }
0x33: {  	v3 =	vperm.xlane v3, v2;
	s16 =	simm.s32 $0x2900  }
0x34: {  	[tilespmem:s16], [sflag:$0x1] =	stream.indirect_vreg.gather [hbm4b:s9+s3], $0x80, v4, vm0, $0xb8;
	[tilespmem:$0x18100] =	vst v63  }
0x35: {  	v3 =	vadd.s32 v1, v3;
	s19 =	simm.s32 $0x3100  }
0x36: {  	[tilespmem:s19], [sflag:$0x1] =	stream.indirect_vreg.gather [hbm4b:s10+s3], $0x80, v4, vm0, $0xb8;
	[tilespmem:$0x18100] =	vst v63  }
0x37: {  	s2 =	simm.s32 $0x3900  }
0x38: {  	[tilespmem:s2], [sflag:$0x1] =	stream.indirect_vreg.gather [hbm4b:s11+s3], $0x80, v4, vm0, $0xb8;
	[tilespmem:$0x18100] =	vst v63  }
0x39: {  	s12 =	simm.s32 $0x4100  }
0x3a: {  	[tilespmem:s12], [sflag:$0x1] =	stream.indirect_vreg.gather [hbm4b:s1+s3], $0x80, v3, vm0, $0xb8;
	[tilespmem:$0x18100] =	vst v63  }
0x3b: {  	s16 =	simm.s32 $0x4900  }
0x3c: {  	[tilespmem:s16], [sflag:$0x1] =	stream.indirect_vreg.gather [hbm4b:s5+s3], $0x80, v3, vm0, $0xb8;
	[tilespmem:$0x18100] =	vst v63  }
0x3d: {  	s19 =	simm.s32 $0x5100  }
0x3e: {  	[tilespmem:s19], [sflag:$0x1] =	stream.indirect_vreg.gather [hbm4b:s6+s3], $0x80, v3, vm0, $0xb8;
	[tilespmem:$0x18100] =	vst v63  }
0x3f: {  	s2 =	simm.s32 $0x5900  }
0x40: {  	[tilespmem:s2], [sflag:$0x1] =	stream.indirect_vreg.gather [hbm4b:s7+s3], $0x80, v3, vm0, $0xb8;
	[tilespmem:$0x18100] =	vst v63  }
0x41: {  	s12 =	simm.s32 $0x6100  }
0x42: {  	[tilespmem:s12], [sflag:$0x1] =	stream.indirect_vreg.gather [hbm4b:s8+s3], $0x80, v3, vm0, $0xb8;
	[tilespmem:$0x18100] =	vst v63  }
0x43: {  	s16 =	simm.s32 $0x6900  }
0x44: {  	[tilespmem:s16], [sflag:$0x1] =	stream.indirect_vreg.gather [hbm4b:s9+s3], $0x80, v3, vm0, $0xb8;
	[tilespmem:$0x18100] =	vst v63  }
0x45: {  	s19 =	simm.s32 $0x7100  }
0x46: {  	[tilespmem:s19], [sflag:$0x1] =	stream.indirect_vreg.gather [hbm4b:s10+s3], $0x80, v3, vm0, $0xb8;
	[tilespmem:$0x18100] =	vst v63  }
0x47: {  	s2 =	simm.s32 $0x7900  }
0x48: {  	[tilespmem:s2], [sflag:$0x1] =	stream.indirect_vreg.gather [hbm4b:s11+s3], $0x80, v3, vm0, $0xb8;
	[tilespmem:$0x18100] =	vst v63  }
0x49: {  	v3 =	vld [tilespmem:$0x10];
	_ =	sdelay $0x4  }
0x4a: {  	v62 =	vshll.u32 v3, $0x4  }
0x4b: {  	v3 =	vand.u32 $0x7, v3;
	v4 =	vand.u32 $0xFFFFFF80, v62  }
0x4c: {  	v3 =	vor.u32 v3, v4  }
0x4d: {  	v4 =	vperm.xlane v3, v0;
	_ =	sdelay $0x1  }
0x4e: {  	v4 =	vadd.s32 v1, v4;
	_ =	sdelay $0x4  }
0x4f: {  	[tilespmem:s17], [sflag:$0x2] =	stream.indirect_vreg.gather [hbm4b:s1+s3], $0x80, v4, vm0, $0xb8;
	[tilespmem:$0x18100] =	vst v63  }
0x50: {  	s12 =	simm.s32 $0x8900  }
0x51: {  	[tilespmem:s12], [sflag:$0x2] =	stream.indirect_vreg.gather [hbm4b:s5+s3], $0x80, v4, vm0, $0xb8;
	[tilespmem:$0x18100] =	vst v63  }
0x52: {  	s16 =	simm.s32 $0x9100  }
0x53: {  	[tilespmem:s16], [sflag:$0x2] =	stream.indirect_vreg.gather [hbm4b:s6+s3], $0x80, v4, vm0, $0xb8;
	[tilespmem:$0x18100] =	vst v63  }
0x54: {  	s17 =	simm.s32 $0x9900  }
0x55: {  	[tilespmem:s17], [sflag:$0x2] =	stream.indirect_vreg.gather [hbm4b:s7+s3], $0x80, v4, vm0, $0xb8;
	[tilespmem:$0x18100] =	vst v63  }
0x56: {  	s19 =	simm.s32 $0xA100  }
0x57: {  	[tilespmem:s19], [sflag:$0x2] =	stream.indirect_vreg.gather [hbm4b:s8+s3], $0x80, v4, vm0, $0xb8;
	[tilespmem:$0x18100] =	vst v63  }
0x58: {  	s2 =	simm.s32 $0xA900;
	v3 =	vperm.xlane v3, v2  }
0x59: {  	[tilespmem:s2], [sflag:$0x2] =	stream.indirect_vreg.gather [hbm4b:s9+s3], $0x80, v4, vm0, $0xb8;
	[tilespmem:$0x18100] =	vst v63  }
0x5a: {  	v3 =	vadd.s32 v1, v3;
	s12 =	simm.s32 $0xB100  }
0x5b: {  	[tilespmem:s12], [sflag:$0x2] =	stream.indirect_vreg.gather [hbm4b:s10+s3], $0x80, v4, vm0, $0xb8;
	[tilespmem:$0x18100] =	vst v63  }
0x5c: {  	s16 =	simm.s32 $0xB900  }
0x5d: {  	[tilespmem:s16], [sflag:$0x2] =	stream.indirect_vreg.gather [hbm4b:s11+s3], $0x80, v4, vm0, $0xb8;
	[tilespmem:$0x18100] =	vst v63  }
0x5e: {  	s17 =	simm.s32 $0xC100  }
0x5f: {  	[tilespmem:s17], [sflag:$0x2] =	stream.indirect_vreg.gather [hbm4b:s1+s3], $0x80, v3, vm0, $0xb8;
	[tilespmem:$0x18100] =	vst v63  }
0x60: {  	s19 =	simm.s32 $0xC900  }
0x61: {  	[tilespmem:s19], [sflag:$0x2] =	stream.indirect_vreg.gather [hbm4b:s5+s3], $0x80, v3, vm0, $0xb8;
	[tilespmem:$0x18100] =	vst v63  }
0x62: {  	s2 =	simm.s32 $0xD100  }
0x63: {  	[tilespmem:s2], [sflag:$0x2] =	stream.indirect_vreg.gather [hbm4b:s6+s3], $0x80, v3, vm0, $0xb8;
	[tilespmem:$0x18100] =	vst v63  }
0x64: {  	s12 =	simm.s32 $0xD900  }
0x65: {  	[tilespmem:s12], [sflag:$0x2] =	stream.indirect_vreg.gather [hbm4b:s7+s3], $0x80, v3, vm0, $0xb8;
	[tilespmem:$0x18100] =	vst v63  }
0x66: {  	s16 =	simm.s32 $0xE100  }
0x67: {  	[tilespmem:s16], [sflag:$0x2] =	stream.indirect_vreg.gather [hbm4b:s8+s3], $0x80, v3, vm0, $0xb8;
	[tilespmem:$0x18100] =	vst v63  }
0x68: {  	s17 =	simm.s32 $0xE900  }
0x69: {  	[tilespmem:s17], [sflag:$0x2] =	stream.indirect_vreg.gather [hbm4b:s9+s3], $0x80, v3, vm0, $0xb8;
	[tilespmem:$0x18100] =	vst v63  }
0x6a: {  	s19 =	simm.s32 $0xF100  }
0x6b: {  	[tilespmem:s19], [sflag:$0x2] =	stream.indirect_vreg.gather [hbm4b:s10+s3], $0x80, v3, vm0, $0xb8;
	[tilespmem:$0x18100] =	vst v63  }
0x6c: {  	s2 =	simm.s32 $0xF900  }
0x6d: {  	[tilespmem:s2], [sflag:$0x2] =	stream.indirect_vreg.gather [hbm4b:s11+s3], $0x80, v3, vm0, $0xb8;
	[tilespmem:$0x18100] =	vst v63  }
0x6e: {  	v3 =	vld [tilespmem:$0x20];
	_ =	sdelay $0x4  }
0x6f: {  	v63 =	vshll.u32 v3, $0x4  }
0x70: {  	v3 =	vand.u32 $0x7, v3;
	v4 =	vand.u32 $0xFFFFFF80, v63  }
0x71: {  	v3 =	vor.u32 v3, v4  }
0x72: {  	v4 =	vperm.xlane v3, v0;
	_ =	sdelay $0x1  }
0x73: {  	v4 =	vadd.s32 v1, v4;
	_ =	sdelay $0x4  }
0x74: {  	[tilespmem:s23], [sflag:$0x3] =	stream.indirect_vreg.gather [hbm4b:s1+s3], $0x80, v4, vm0, $0xb8;
	[tilespmem:$0x18100] =	vst v63  }
0x75: {  	s12 =	simm.s32 $0x10900  }
0x76: {  	[tilespmem:s12], [sflag:$0x3] =	stream.indirect_vreg.gather [hbm4b:s5+s3], $0x80, v4, vm0, $0xb8;
	[tilespmem:$0x18100] =	vst v63  }
0x77: {  	s16 =	simm.s32 $0x11100  }
0x78: {  	[tilespmem:s16], [sflag:$0x3] =	stream.indirect_vreg.gather [hbm4b:s6+s3], $0x80, v4, vm0, $0xb8;
	[tilespmem:$0x18100] =	vst v63  }
0x79: {  	s17 =	simm.s32 $0x11900  }
0x7a: {  	[tilespmem:s17], [sflag:$0x3] =	stream.indirect_vreg.gather [hbm4b:s7+s3], $0x80, v4, vm0, $0xb8;
	[tilespmem:$0x18100] =	vst v63  }
0x7b: {  	s19 =	simm.s32 $0x12100  }
0x7c: {  	[tilespmem:s19], [sflag:$0x3] =	stream.indirect_vreg.gather [hbm4b:s8+s3], $0x80, v4, vm0, $0xb8;
	[tilespmem:$0x18100] =	vst v63  }
0x7d: {  	v3 =	vperm.xlane v3, v2;
	s23 =	simm.s32 $0x12900  }
0x7e: {  	[tilespmem:s23], [sflag:$0x3] =	stream.indirect_vreg.gather [hbm4b:s9+s3], $0x80, v4, vm0, $0xb8;
	[tilespmem:$0x18100] =	vst v63  }
0x7f: {  	v3 =	vadd.s32 v1, v3  }
0x80: {  	[tilespmem:s26], [sflag:$0x3] =	stream.indirect_vreg.gather [hbm4b:s10+s3], $0x80, v4, vm0, $0xb8;
	[tilespmem:$0x18100] =	vst v63  }
0x81: {  	s2 =	simm.s32 $0x13900  }
0x82: {  	[tilespmem:s2], [sflag:$0x3] =	stream.indirect_vreg.gather [hbm4b:s11+s3], $0x80, v4, vm0, $0xb8;
	[tilespmem:$0x18100] =	vst v63  }
0x83: {  	_ = 	snop  }
0x84: {  	[tilespmem:s21], [sflag:$0x3] =	stream.indirect_vreg.gather [hbm4b:s1+s3], $0x80, v3, vm0, $0xb8;
	[tilespmem:$0x18100] =	vst v63  }
0x85: {  	s12 =	simm.s32 $0x14900  }
0x86: {  	[tilespmem:s12], [sflag:$0x3] =	stream.indirect_vreg.gather [hbm4b:s5+s3], $0x80, v3, vm0, $0xb8;
	[tilespmem:$0x18100] =	vst v63  }
0x87: {  	_ = 	snop  }
0x88: {  	[tilespmem:s22], [sflag:$0x3] =	stream.indirect_vreg.gather [hbm4b:s6+s3], $0x80, v3, vm0, $0xb8;
	[tilespmem:$0x18100] =	vst v63  }
0x89: {  	_ = 	snop  }
0x8a: {  	[tilespmem:s18], [sflag:$0x3] =	stream.indirect_vreg.gather [hbm4b:s7+s3], $0x80, v3, vm0, $0xb8;
	[tilespmem:$0x18100] =	vst v63  }
0x8b: {  	_ = 	snop  }
0x8c: {  	[tilespmem:s30], [sflag:$0x3] =	stream.indirect_vreg.gather [hbm4b:s8+s3], $0x80, v3, vm0, $0xb8;
	[tilespmem:$0x18100] =	vst v63  }
0x8d: {  	_ = 	snop  }
0x8e: {  	[tilespmem:s4], [sflag:$0x3] =	stream.indirect_vreg.gather [hbm4b:s9+s3], $0x80, v3, vm0, $0xb8;
	[tilespmem:$0x18100] =	vst v63  }
0x8f: {  	_ = 	snop  }
0x90: {  	[tilespmem:s24], [sflag:$0x3] =	stream.indirect_vreg.gather [hbm4b:s10+s3], $0x80, v3, vm0, $0xb8;
	[tilespmem:$0x18100] =	vst v63  }
0x91: {  	s0 =	simm.s32 $0x0  }
0x92: {  	[tilespmem:s20], [sflag:$0x3] =	stream.indirect_vreg.gather [hbm4b:s11+s3], $0x80, v3, vm0, $0xb8;
	[tilespmem:$0x18100] =	vst v63  }
0x93: {  	s16 =	simm.s32 $0x50;
	s24 =	simm.s32 $0x16900;
	s20 =	simm.s32 $0x17900  }
.LBB2_2:
0x94: {  	_ =	swait.ge [sflag:s28], $0x8000  }
0x95: {  	s19 =	rddreg [dreg:$0x4];
	[sflag:s28] =	ssyncset.done $0x0  }
0x96: {  	s26 =	simm.s32 $0x100;
	[sflag:s28] =	ssyncadd.s32 $0xFFFF8000;
	s19 =	sadd.s32 s0, s19  }
0x97: {  	[hbm4b:s19+s3] =	stream.linear.scatter [tilespmem:s26], [sflag:$0x4], $0x8000, $0x38;
	[tilespmem:$0x18100] =	vst v63  }
0x98: {  	_ =	swait.ge [sflag:s13], $0x8000  }
0x99: {  	[sflag:s13] =	ssyncset.done $0x0  }
0x9a: {  	[sflag:s13] =	ssyncadd.s32 $0xFFFF8000  }
0x9b: {  	v3 =	vld [tilespmem:s16+$0xFFFFFFE0];
	_ =	sdelay $0x4  }
0x9c: {  	v4 =	vshll.u32 v3, $0x4  }
0x9d: {  	v3 =	vand.u32 $0x7, v3;
	v4 =	vand.u32 $0xFFFFFF80, v4  }
0x9e: {  	v3 =	vor.u32 v3, v4  }
0x9f: {  	v4 =	vperm.xlane v3, v0;
	_ =	sdelay $0x1  }
0xa0: {  	v4 =	vadd.s32 v1, v4;
	_ =	sdelay $0x4  }
0xa1: {  	[tilespmem:s26], [sflag:$0x1] =	stream.indirect_vreg.gather [hbm4b:s1+s3], $0x80, v4, vm0, $0xb8;
	[tilespmem:$0x18100] =	vst v63  }
0xa2: {  	s22 =	simm.s32 $0x900  }
0xa3: {  	[tilespmem:s22], [sflag:$0x1] =	stream.indirect_vreg.gather [hbm4b:s5+s3], $0x80, v4, vm0, $0xb8;
	[tilespmem:$0x18100] =	vst v63  }
0xa4: {  	s23 =	simm.s32 $0x1100  }
0xa5: {  	[tilespmem:s23], [sflag:$0x1] =	stream.indirect_vreg.gather [hbm4b:s6+s3], $0x80, v4, vm0, $0xb8;
	[tilespmem:$0x18100] =	vst v63  }
0xa6: {  	s4 =	simm.s32 $0x1900  }
0xa7: {  	[tilespmem:s4], [sflag:$0x1] =	stream.indirect_vreg.gather [hbm4b:s7+s3], $0x80, v4, vm0, $0xb8;
	[tilespmem:$0x18100] =	vst v63  }
0xa8: {  	s17 =	simm.s32 $0x2100  }
0xa9: {  	[tilespmem:s17], [sflag:$0x1] =	stream.indirect_vreg.gather [hbm4b:s8+s3], $0x80, v4, vm0, $0xb8;
	[tilespmem:$0x18100] =	vst v63  }
0xaa: {  	v3 =	vperm.xlane v3, v2;
	s22 =	simm.s32 $0x2900  }
0xab: {  	[tilespmem:s22], [sflag:$0x1] =	stream.indirect_vreg.gather [hbm4b:s9+s3], $0x80, v4, vm0, $0xb8;
	[tilespmem:$0x18100] =	vst v63  }
0xac: {  	v3 =	vadd.s32 v1, v3;
	s23 =	simm.s32 $0x3100  }
0xad: {  	[tilespmem:s23], [sflag:$0x1] =	stream.indirect_vreg.gather [hbm4b:s10+s3], $0x80, v4, vm0, $0xb8;
	[tilespmem:$0x18100] =	vst v63  }
0xae: {  	s4 =	simm.s32 $0x3900  }
0xaf: {  	[tilespmem:s4], [sflag:$0x1] =	stream.indirect_vreg.gather [hbm4b:s11+s3], $0x80, v4, vm0, $0xb8;
	[tilespmem:$0x18100] =	vst v63  }
0xb0: {  	s17 =	simm.s32 $0x4100  }
0xb1: {  	[tilespmem:s17], [sflag:$0x1] =	stream.indirect_vreg.gather [hbm4b:s1+s3], $0x80, v3, vm0, $0xb8;
	[tilespmem:$0x18100] =	vst v63  }
0xb2: {  	s22 =	simm.s32 $0x4900  }
0xb3: {  	[tilespmem:s22], [sflag:$0x1] =	stream.indirect_vreg.gather [hbm4b:s5+s3], $0x80, v3, vm0, $0xb8;
	[tilespmem:$0x18100] =	vst v63  }
0xb4: {  	s23 =	simm.s32 $0x5100  }
0xb5: {  	[tilespmem:s23], [sflag:$0x1] =	stream.indirect_vreg.gather [hbm4b:s6+s3], $0x80, v3, vm0, $0xb8;
	[tilespmem:$0x18100] =	vst v63  }
0xb6: {  	s4 =	simm.s32 $0x5900  }
0xb7: {  	[tilespmem:s4], [sflag:$0x1] =	stream.indirect_vreg.gather [hbm4b:s7+s3], $0x80, v3, vm0, $0xb8;
	[tilespmem:$0x18100] =	vst v63  }
0xb8: {  	s17 =	simm.s32 $0x6100  }
0xb9: {  	[tilespmem:s17], [sflag:$0x1] =	stream.indirect_vreg.gather [hbm4b:s8+s3], $0x80, v3, vm0, $0xb8;
	[tilespmem:$0x18100] =	vst v63  }
0xba: {  	s22 =	simm.s32 $0x6900  }
0xbb: {  	[tilespmem:s22], [sflag:$0x1] =	stream.indirect_vreg.gather [hbm4b:s9+s3], $0x80, v3, vm0, $0xb8;
	[tilespmem:$0x18100] =	vst v63  }
0xbc: {  	s23 =	simm.s32 $0x7100  }
0xbd: {  	[tilespmem:s23], [sflag:$0x1] =	stream.indirect_vreg.gather [hbm4b:s10+s3], $0x80, v3, vm0, $0xb8;
	[tilespmem:$0x18100] =	vst v63  }
0xbe: {  	s4 =	simm.s32 $0x7900  }
0xbf: {  	[tilespmem:s4], [sflag:$0x1] =	stream.indirect_vreg.gather [hbm4b:s11+s3], $0x80, v3, vm0, $0xb8;
	[tilespmem:$0x18100] =	vst v63  }
0xc0: {  	_ =	swait.ge [sflag:s29], $0x8000  }
0xc1: {  	s17 =	rddreg [dreg:$0x5];
	[sflag:s29] =	ssyncset.done $0x0  }
0xc2: {  	s22 =	simm.s32 $0x8100;
	[sflag:s29] =	ssyncadd.s32 $0xFFFF8000;
	s19 =	sadd.s32 s0, s17  }
0xc3: {  	[hbm4b:s19+s3] =	stream.linear.scatter [tilespmem:s22], [sflag:$0x5], $0x8000, $0x38;
	[tilespmem:$0x18100] =	vst v63  }
0xc4: {  	_ =	swait.ge [sflag:s14], $0x8000  }
0xc5: {  	[sflag:s14] =	ssyncset.done $0x0  }
0xc6: {  	[sflag:s14] =	ssyncadd.s32 $0xFFFF8000  }
0xc7: {  	v3 =	vld [tilespmem:s16+$0xFFFFFFF0];
	_ =	sdelay $0x4  }
0xc8: {  	v62 =	vshll.u32 v3, $0x4  }
0xc9: {  	v3 =	vand.u32 $0x7, v3;
	v4 =	vand.u32 $0xFFFFFF80, v62  }
0xca: {  	v3 =	vor.u32 v3, v4  }
0xcb: {  	v4 =	vperm.xlane v3, v0;
	_ =	sdelay $0x1  }
0xcc: {  	v4 =	vadd.s32 v1, v4;
	_ =	sdelay $0x4  }
0xcd: {  	[tilespmem:s22], [sflag:$0x2] =	stream.indirect_vreg.gather [hbm4b:s1+s3], $0x80, v4, vm0, $0xb8;
	[tilespmem:$0x18100] =	vst v63  }
0xce: {  	s4 =	simm.s32 $0x8900  }
0xcf: {  	[tilespmem:s4], [sflag:$0x2] =	stream.indirect_vreg.gather [hbm4b:s5+s3], $0x80, v4, vm0, $0xb8;
	[tilespmem:$0x18100] =	vst v63  }
0xd0: {  	s19 =	simm.s32 $0x9100  }
0xd1: {  	[tilespmem:s19], [sflag:$0x2] =	stream.indirect_vreg.gather [hbm4b:s6+s3], $0x80, v4, vm0, $0xb8;
	[tilespmem:$0x18100] =	vst v63  }
0xd2: {  	s23 =	simm.s32 $0x9900  }
0xd3: {  	[tilespmem:s23], [sflag:$0x2] =	stream.indirect_vreg.gather [hbm4b:s7+s3], $0x80, v4, vm0, $0xb8;
	[tilespmem:$0x18100] =	vst v63  }
0xd4: {  	s19 =	simm.s32 $0xA100  }
0xd5: {  	[tilespmem:s19], [sflag:$0x2] =	stream.indirect_vreg.gather [hbm4b:s8+s3], $0x80, v4, vm0, $0xb8;
	[tilespmem:$0x18100] =	vst v63  }
0xd6: {  	v3 =	vperm.xlane v3, v2;
	s23 =	simm.s32 $0xA900  }
0xd7: {  	[tilespmem:s23], [sflag:$0x2] =	stream.indirect_vreg.gather [hbm4b:s9+s3], $0x80, v4, vm0, $0xb8;
	[tilespmem:$0x18100] =	vst v63  }
0xd8: {  	v3 =	vadd.s32 v1, v3;
	s19 =	simm.s32 $0xB100  }
0xd9: {  	[tilespmem:s19], [sflag:$0x2] =	stream.indirect_vreg.gather [hbm4b:s10+s3], $0x80, v4, vm0, $0xb8;
	[tilespmem:$0x18100] =	vst v63  }
0xda: {  	s23 =	simm.s32 $0xB900  }
0xdb: {  	[tilespmem:s23], [sflag:$0x2] =	stream.indirect_vreg.gather [hbm4b:s11+s3], $0x80, v4, vm0, $0xb8;
	[tilespmem:$0x18100] =	vst v63  }
0xdc: {  	s19 =	simm.s32 $0xC100  }
0xdd: {  	[tilespmem:s19], [sflag:$0x2] =	stream.indirect_vreg.gather [hbm4b:s1+s3], $0x80, v3, vm0, $0xb8;
	[tilespmem:$0x18100] =	vst v63  }
0xde: {  	s23 =	simm.s32 $0xC900  }
0xdf: {  	[tilespmem:s23], [sflag:$0x2] =	stream.indirect_vreg.gather [hbm4b:s5+s3], $0x80, v3, vm0, $0xb8;
	[tilespmem:$0x18100] =	vst v63  }
0xe0: {  	s19 =	simm.s32 $0xD100  }
0xe1: {  	[tilespmem:s19], [sflag:$0x2] =	stream.indirect_vreg.gather [hbm4b:s6+s3], $0x80, v3, vm0, $0xb8;
	[tilespmem:$0x18100] =	vst v63  }
0xe2: {  	s23 =	simm.s32 $0xD900  }
0xe3: {  	[tilespmem:s23], [sflag:$0x2] =	stream.indirect_vreg.gather [hbm4b:s7+s3], $0x80, v3, vm0, $0xb8;
	[tilespmem:$0x18100] =	vst v63  }
0xe4: {  	s19 =	simm.s32 $0xE100  }
0xe5: {  	[tilespmem:s19], [sflag:$0x2] =	stream.indirect_vreg.gather [hbm4b:s8+s3], $0x80, v3, vm0, $0xb8;
	[tilespmem:$0x18100] =	vst v63  }
0xe6: {  	s23 =	simm.s32 $0xE900  }
0xe7: {  	[tilespmem:s23], [sflag:$0x2] =	stream.indirect_vreg.gather [hbm4b:s9+s3], $0x80, v3, vm0, $0xb8;
	[tilespmem:$0x18100] =	vst v63  }
0xe8: {  	s19 =	simm.s32 $0xF100  }
0xe9: {  	[tilespmem:s19], [sflag:$0x2] =	stream.indirect_vreg.gather [hbm4b:s10+s3], $0x80, v3, vm0, $0xb8;
	[tilespmem:$0x18100] =	vst v63  }
0xea: {  	s23 =	simm.s32 $0xF900  }
0xeb: {  	[tilespmem:s23], [sflag:$0x2] =	stream.indirect_vreg.gather [hbm4b:s11+s3], $0x80, v3, vm0, $0xb8;
	[tilespmem:$0x18100] =	vst v63  }
0xec: {  	_ =	swait.ge [sflag:s15], $0x8000  }
0xed: {  	s4 =	rddreg [dreg:$0x6];
	[sflag:s15] =	ssyncset.done $0x0  }
0xee: {  	[sflag:s15] =	ssyncadd.s32 $0xFFFF8000;
	s19 =	sadd.s32 s0, s4;
	s4 =	simm.s32 $0x10100  }
0xef: {  	[hbm4b:s19+s3] =	stream.linear.scatter [tilespmem:s4], [sflag:$0x6], $0x8000, $0x38;
	[tilespmem:$0x18100] =	vst v63  }
0xf0: {  	_ =	swait.ge [sflag:s31], $0x8000  }
0xf1: {  	[sflag:s31] =	ssyncset.done $0x0  }
0xf2: {  	[sflag:s31] =	ssyncadd.s32 $0xFFFF8000  }
0xf3: {  	v3 =	vld [tilespmem:s16+$0x0];
	_ =	sdelay $0x4  }
0xf4: {  	v63 =	vshll.u32 v3, $0x4  }
0xf5: {  	v3 =	vand.u32 $0x7, v3;
	v4 =	vand.u32 $0xFFFFFF80, v63  }
0xf6: {  	v3 =	vor.u32 v3, v4  }
0xf7: {  	v4 =	vperm.xlane v3, v0;
	_ =	sdelay $0x1  }
0xf8: {  	v4 =	vadd.s32 v1, v4;
	_ =	sdelay $0x4  }
0xf9: {  	[tilespmem:s4], [sflag:$0x3] =	stream.indirect_vreg.gather [hbm4b:s1+s3], $0x80, v4, vm0, $0xb8;
	[tilespmem:$0x18100] =	vst v63  }
0xfa: {  	s19 =	simm.s32 $0x10900  }
0xfb: {  	[tilespmem:s19], [sflag:$0x3] =	stream.indirect_vreg.gather [hbm4b:s5+s3], $0x80, v4, vm0, $0xb8;
	[tilespmem:$0x18100] =	vst v63  }
0xfc: {  	s19 =	simm.s32 $0x11100  }
0xfd: {  	[tilespmem:s19], [sflag:$0x3] =	stream.indirect_vreg.gather [hbm4b:s6+s3], $0x80, v4, vm0, $0xb8;
	[tilespmem:$0x18100] =	vst v63  }
0xfe: {  	s19 =	simm.s32 $0x11900  }
0xff: {  	[tilespmem:s19], [sflag:$0x3] =	stream.indirect_vreg.gather [hbm4b:s7+s3], $0x80, v4, vm0, $0xb8;
	[tilespmem:$0x18100] =	vst v63  }
0x100: {  	s19 =	simm.s32 $0x12100  }
0x101: {  	[tilespmem:s19], [sflag:$0x3] =	stream.indirect_vreg.gather [hbm4b:s8+s3], $0x80, v4, vm0, $0xb8;
	[tilespmem:$0x18100] =	vst v63  }
0x102: {  	v3 =	vperm.xlane v3, v2;
	s19 =	simm.s32 $0x12900  }
0x103: {  	[tilespmem:s19], [sflag:$0x3] =	stream.indirect_vreg.gather [hbm4b:s9+s3], $0x80, v4, vm0, $0xb8;
	[tilespmem:$0x18100] =	vst v63  }
0x104: {  	s26 =	simm.s32 $0x13100;
	v3 =	vadd.s32 v1, v3  }
0x105: {  	[tilespmem:s26], [sflag:$0x3] =	stream.indirect_vreg.gather [hbm4b:s10+s3], $0x80, v4, vm0, $0xb8;
	[tilespmem:$0x18100] =	vst v63  }
0x106: {  	_ = 	snop  }
0x107: {  	[tilespmem:s2], [sflag:$0x3] =	stream.indirect_vreg.gather [hbm4b:s11+s3], $0x80, v4, vm0, $0xb8;
	[tilespmem:$0x18100] =	vst v63  }
0x108: {  	_ = 	snop  }
0x109: {  	[tilespmem:s21], [sflag:$0x3] =	stream.indirect_vreg.gather [hbm4b:s1+s3], $0x80, v3, vm0, $0xb8;
	[tilespmem:$0x18100] =	vst v63  }
0x10a: {  	_ = 	snop  }
0x10b: {  	[tilespmem:s12], [sflag:$0x3] =	stream.indirect_vreg.gather [hbm4b:s5+s3], $0x80, v3, vm0, $0xb8;
	[tilespmem:$0x18100] =	vst v63  }
0x10c: {  	s22 =	simm.s32 $0x15100  }
0x10d: {  	[tilespmem:s22], [sflag:$0x3] =	stream.indirect_vreg.gather [hbm4b:s6+s3], $0x80, v3, vm0, $0xb8;
	[tilespmem:$0x18100] =	vst v63  }
0x10e: {  	_ = 	snop  }
0x10f: {  	[tilespmem:s18], [sflag:$0x3] =	stream.indirect_vreg.gather [hbm4b:s7+s3], $0x80, v3, vm0, $0xb8;
	[tilespmem:$0x18100] =	vst v63  }
0x110: {  	_ = 	snop  }
0x111: {  	[tilespmem:s30], [sflag:$0x3] =	stream.indirect_vreg.gather [hbm4b:s8+s3], $0x80, v3, vm0, $0xb8;
	[tilespmem:$0x18100] =	vst v63  }
0x112: {  	p0 =	sne.s32 s0, $0x9000  }
0x113: {  	[tilespmem:s24], [sflag:$0x3] =	stream.indirect_vreg.gather [hbm4b:s9+s3], $0x80, v3, vm0, $0xb8;
	[tilespmem:$0x18100] =	vst v63  }
.Ltmp0:
0x114: {  	_ = 	snop;
	(pc) =	sbr.rel @p0 .LBB2_2-.Ltmp0, $4  }
0x115: {  	s17 =	simm.s32 $0x8100  }
0x116: {  	[tilespmem:s25], [sflag:$0x3] =	stream.indirect_vreg.gather [hbm4b:s10+s3], $0x80, v3, vm0, $0xb8;
	[tilespmem:$0x18100] =	vst v63  }
0x117: {  	s23 =	simm.s32 $0x10100;
	s0 =	sadd.s32 $0x3000, s0;
	s16 =	sadd.s32 $0x30, s16  }
0x118: {  	[tilespmem:s20], [sflag:$0x3] =	stream.indirect_vreg.gather [hbm4b:s11+s3], $0x80, v3, vm0, $0xb8;
	[tilespmem:$0x18100] =	vst v63  }
0x119: {  	_ =	swait.ge [sflag:s28], $0x8000  }
0x11a: {  	[sflag:s28] =	ssyncset.done $0x0  }
0x11b: {  	s4 =	simm.s32 $0x100;
	s0 =	rddreg [dreg:$0x8];
	[sflag:s28] =	ssyncadd.s32 $0xFFFF8000  }
0x11c: {  	[hbm4b:s0+s3] =	stream.linear.scatter [tilespmem:s4], [sflag:$0x4], $0x8000, $0x38;
	[tilespmem:$0x18100] =	vst v63  }
0x11d: {  	_ =	swait.ge [sflag:s13], $0x8000  }
0x11e: {  	[sflag:s13] =	ssyncset.done $0x0  }
0x11f: {  	[sflag:s13] =	ssyncadd.s32 $0xFFFF8000  }
0x120: {  	v3 =	vld [tilespmem:$0xF0];
	_ =	sdelay $0x4  }
0x121: {  	v4 =	vshll.u32 v3, $0x4  }
0x122: {  	v3 =	vand.u32 $0x7, v3;
	v4 =	vand.u32 $0xFFFFFF80, v4  }
0x123: {  	v3 =	vor.u32 v3, v4  }
0x124: {  	v4 =	vperm.xlane v3, v0;
	_ =	sdelay $0x1  }
0x125: {  	v4 =	vadd.s32 v1, v4;
	_ =	sdelay $0x4  }
0x126: {  	[tilespmem:s4], [sflag:$0x1] =	stream.indirect_vreg.gather [hbm4b:s1+s3], $0x80, v4, vm0, $0xb8;
	[tilespmem:$0x18100] =	vst v63  }
0x127: {  	s24 =	simm.s32 $0x900  }
0x128: {  	[tilespmem:s24], [sflag:$0x1] =	stream.indirect_vreg.gather [hbm4b:s5+s3], $0x80, v4, vm0, $0xb8;
	[tilespmem:$0x18100] =	vst v63  }
0x129: {  	s2 =	simm.s32 $0x1100  }
0x12a: {  	[tilespmem:s2], [sflag:$0x1] =	stream.indirect_vreg.gather [hbm4b:s6+s3], $0x80, v4, vm0, $0xb8;
	[tilespmem:$0x18100] =	vst v63  }
0x12b: {  	s12 =	simm.s32 $0x1900  }
0x12c: {  	[tilespmem:s12], [sflag:$0x1] =	stream.indirect_vreg.gather [hbm4b:s7+s3], $0x80, v4, vm0, $0xb8;
	[tilespmem:$0x18100] =	vst v63  }
0x12d: {  	s16 =	simm.s32 $0x2100  }
0x12e: {  	[tilespmem:s16], [sflag:$0x1] =	stream.indirect_vreg.gather [hbm4b:s8+s3], $0x80, v4, vm0, $0xb8;
	[tilespmem:$0x18100] =	vst v63  }
0x12f: {  	s19 =	simm.s32 $0x2900;
	v3 =	vperm.xlane v3, v2  }
0x130: {  	[tilespmem:s19], [sflag:$0x1] =	stream.indirect_vreg.gather [hbm4b:s9+s3], $0x80, v4, vm0, $0xb8;
	[tilespmem:$0x18100] =	vst v63  }
0x131: {  	s20 =	simm.s32 $0x3100;
	v3 =	vadd.s32 v1, v3  }
0x132: {  	[tilespmem:s20], [sflag:$0x1] =	stream.indirect_vreg.gather [hbm4b:s10+s3], $0x80, v4, vm0, $0xb8;
	[tilespmem:$0x18100] =	vst v63  }
0x133: {  	s24 =	simm.s32 $0x3900  }
0x134: {  	[tilespmem:s24], [sflag:$0x1] =	stream.indirect_vreg.gather [hbm4b:s11+s3], $0x80, v4, vm0, $0xb8;
	[tilespmem:$0x18100] =	vst v63  }
0x135: {  	s2 =	simm.s32 $0x4100  }
0x136: {  	[tilespmem:s2], [sflag:$0x1] =	stream.indirect_vreg.gather [hbm4b:s1+s3], $0x80, v3, vm0, $0xb8;
	[tilespmem:$0x18100] =	vst v63  }
0x137: {  	s12 =	simm.s32 $0x4900  }
0x138: {  	[tilespmem:s12], [sflag:$0x1] =	stream.indirect_vreg.gather [hbm4b:s5+s3], $0x80, v3, vm0, $0xb8;
	[tilespmem:$0x18100] =	vst v63  }
0x139: {  	s16 =	simm.s32 $0x5100  }
0x13a: {  	[tilespmem:s16], [sflag:$0x1] =	stream.indirect_vreg.gather [hbm4b:s6+s3], $0x80, v3, vm0, $0xb8;
	[tilespmem:$0x18100] =	vst v63  }
0x13b: {  	s19 =	simm.s32 $0x5900  }
0x13c: {  	[tilespmem:s19], [sflag:$0x1] =	stream.indirect_vreg.gather [hbm4b:s7+s3], $0x80, v3, vm0, $0xb8;
	[tilespmem:$0x18100] =	vst v63  }
0x13d: {  	s20 =	simm.s32 $0x6100  }
0x13e: {  	[tilespmem:s20], [sflag:$0x1] =	stream.indirect_vreg.gather [hbm4b:s8+s3], $0x80, v3, vm0, $0xb8;
	[tilespmem:$0x18100] =	vst v63  }
0x13f: {  	s24 =	simm.s32 $0x6900  }
0x140: {  	[tilespmem:s24], [sflag:$0x1] =	stream.indirect_vreg.gather [hbm4b:s9+s3], $0x80, v3, vm0, $0xb8;
	[tilespmem:$0x18100] =	vst v63  }
0x141: {  	s2 =	simm.s32 $0x7100  }
0x142: {  	[tilespmem:s2], [sflag:$0x1] =	stream.indirect_vreg.gather [hbm4b:s10+s3], $0x80, v3, vm0, $0xb8;
	[tilespmem:$0x18100] =	vst v63  }
0x143: {  	s12 =	simm.s32 $0x7900  }
0x144: {  	[tilespmem:s12], [sflag:$0x1] =	stream.indirect_vreg.gather [hbm4b:s11+s3], $0x80, v3, vm0, $0xb8;
	[tilespmem:$0x18100] =	vst v63  }
0x145: {  	_ =	swait.ge [sflag:s29], $0x8000  }
0x146: {  	[sflag:s29] =	ssyncset.done $0x0  }
0x147: {  	s16 =	rddreg [dreg:$0x9];
	[sflag:s29] =	ssyncadd.s32 $0xFFFF8000  }
0x148: {  	[hbm4b:s16+s3] =	stream.linear.scatter [tilespmem:s17], [sflag:$0x5], $0x8000, $0x38;
	[tilespmem:$0x18100] =	vst v63  }
0x149: {  	_ =	swait.ge [sflag:s14], $0x8000  }
0x14a: {  	[sflag:s14] =	ssyncset.done $0x0  }
0x14b: {  	[sflag:s14] =	ssyncadd.s32 $0xFFFF8000  }
0x14c: {  	_ =	swait.ge [sflag:s15], $0x8000  }
0x14d: {  	[sflag:s15] =	ssyncset.done $0x0  }
0x14e: {  	s19 =	rddreg [dreg:$0xa];
	[sflag:s15] =	ssyncadd.s32 $0xFFFF8000  }
0x14f: {  	[hbm4b:s19+s3] =	stream.linear.scatter [tilespmem:s23], [sflag:$0x6], $0x8000, $0x38;
	[tilespmem:$0x18100] =	vst v63  }
0x150: {  	_ =	swait.ge [sflag:s31], $0x8000  }
0x151: {  	[sflag:s31] =	ssyncset.done $0x0  }
0x152: {  	[sflag:s31] =	ssyncadd.s32 $0xFFFF8000  }
0x153: {  	_ =	swait.ge [sflag:s28], $0x8000  }
0x154: {  	[sflag:s28] =	ssyncset.done $0x0  }
0x155: {  	s20 =	rddreg [dreg:$0xb];
	[sflag:s28] =	ssyncadd.s32 $0xFFFF8000  }
0x156: {  	[hbm4b:s20+s3] =	stream.linear.scatter [tilespmem:s4], [sflag:$0x4], $0x8000, $0x38;
	[tilespmem:$0x18100] =	vst v63  }
0x157: {  	_ =	swait.ge [sflag:s13], $0x8000  }
0x158: {  	s12 =	rddreg [dreg:$0xd]  }
0x159: {  	s24 =	rddreg [dreg:$0xc];
	s12 =	sadd.s32 $0x1, s12  }
0x15a: {  	p0 =	sne.s32 s12, s24  }
.Ltmp1:
0x15b: {  	_ = 	snop;
	(pc) =	sbr.rel @p0 .LBB2_1-.Ltmp1, $3  }
0x15c: {  	_ =	sdelay $0x1  }
0x15d: {  	s2 =	simm.s32 $0x100;
	s4 =	simm.s32 $0x16900;
	[sflag:s13] =	ssyncset.done $0x0  }
0x15e: {  	s20 =	simm.s32 $0x17900;
	[sflag:s13] =	ssyncadd.s32 $0xFFFF8000;
	s24 =	simm.s32 $0x17100  }
0x15f: {  	_ =	sfence.sel $0x180000  }
0x160: {  	[bflag:$0x0] =	sbarrier.arrive $0xFFFF  }
0x161: {  	_ =	strace $0x90000047  }
0x162: {  	s0 =	stileid.u32;
	[bflag:$0x2] =	sbarrier.arrive $0xFFFF  }
0x163: {  	p0 =	sne.s32 s0, $0x0;
	s0 =	rddreg [dreg:$0x3]  }
0x164: {  	s0 =	sadd.s32 @!p0 $0x100000, s0  }
0x165: {  	[sflag:s0] =	ssyncadd.tile.s32 @!p0 $0x1;
	_ =	shalt  }
.Lfunc_end2:
_tile_overlayer_lowered:
.L_overlay_start_2:
0x166: {  	(tag) =	ssettag $0x2  }
0x167: {  	s0 =	rddreg [dreg:$0x0];
	s2 =	stileid.u32  }
0x168: {  	s1 =	rddreg [dreg:$0x1];
	p0 =	sne.s32 s2, $0x0  }
0x169: {  	s3 =	rddreg [dreg:$0x2];
	[bflag:$0x3] =	sbarrier.arrive $0xFFFF;
	s2 =	simm.s32 @!p0 $0x1C07  }
0x16a: {  	[timem:s3], [sflag:s2] =	dma.local @!p0 [hbm:s0], s1  }
0x16b: {  	s0 =	simm.s32 @!p0 $0x7  }
0x16c: {  	_ =	swait.ge @!p0 [sflag:s0], s1  }
0x16d: {  	s1 =	ssub.s32 @!p0 $0x0, s1;
	[sflag:s0] =	ssyncset.done @!p0 $0x0  }
0x16e: {  	[sflag:s0] =	ssyncadd.s32 @!p0 s1  }
0x16f: {  	[bflag:$0x3] =	sbarrier.arrive $0xFFFF  }
0x170: {  	_ =	shalt  }

</sc_bundles>
